<compile_context>
chip_gen: v7x
topology: tpu7x:2x2x1
jax: 0.10.2.dev20260603
libtpu: 0.0.44.dev20260713+nightly
codegen_flags: <defaults>
</compile_context>

<pallas_src>
import functools

import jax
import jax.numpy as jnp
from jax import lax
from jax.experimental import pallas as pl
from jax.experimental.pallas import tpu as pltpu
from jax.experimental.pallas import tpu_sc as plsc

_MAX_LEN = 2048
_D = 1024
_B = 4
_NC = 2
_NS = 16
_NW = _NC * _NS
_L_PER_W = _MAX_LEN // _NW
_CHUNK = 8
_N_CHUNKS = _L_PER_W // _CHUNK
_NGEN = 3


def _body(x_hbm, t_hbm, o_hbm, *refs):
    tbufs = list(refs[0:2])
    xbufs = list(refs[2:2 + _NGEN])
    tsem = refs[2 + _NGEN]
    isems = list(refs[3 + _NGEN: 3 + 2 * _NGEN])
    osems = list(refs[3 + 2 * _NGEN: 3 + 3 * _NGEN])

    wid = lax.axis_index("s") * _NC + lax.axis_index("c")
    l0 = wid * _L_PER_W

    tcp = [None] * _N_CHUNKS
    xin = [None] * _N_CHUNKS
    xout = [None] * _N_CHUNKS

    def rows(c):
        return pl.ds(l0 + c * _CHUNK, _CHUNK)

    def t_start(c):
        d = pltpu.make_async_copy(t_hbm.at[rows(c), :], tbufs[c % 2], tsem)
        d.start()
        tcp[c] = d

    def x_start_in(c):
        d = pltpu.make_async_copy(
            x_hbm.at[:, rows(c), :], xbufs[c % _NGEN], isems[c % _NGEN])
        d.start()
        xin[c] = d

    def x_start_out(c):
        d = pltpu.make_async_copy(
            xbufs[c % _NGEN], o_hbm.at[:, rows(c), :], osems[c % _NGEN])
        d.start()
        xout[c] = d

    def add_chunk(c):
        tref = tbufs[c % 2]
        buf = xbufs[c % _NGEN]

        @plsc.parallel_loop(0, _CHUNK * (_D // 16), unroll=8)
        def _(i):
            r = i >> 6
            s = pl.ds((i & 63) * 16, 16)
            t = tref[r, s]
            for b in range(_B):
                buf[b, r, s] = buf[b, r, s] + t

    t_start(0)
    t_start(1)
    x_start_in(0)
    x_start_in(1)
    for c in range(_N_CHUNKS):
        tcp[c].wait()
        xin[c].wait()
        add_chunk(c)
        if c + 2 < _N_CHUNKS:
            t_start(c + 2)
        x_start_out(c)
        if c + 2 < _N_CHUNKS:
            if c - 1 >= 0:
                xout[c - 1].wait()
            x_start_in(c + 2)
    for c in (_N_CHUNKS - 3, _N_CHUNKS - 2, _N_CHUNKS - 1):
        xout[c].wait()


@functools.partial(jax.jit, donate_argnums=())
def kernel(x, table):
    mesh = plsc.VectorSubcoreMesh(core_axis_name="c", subcore_axis_name="s")
    scratch = [pltpu.VMEM((_CHUNK, _D), jnp.float32)] * 2
    scratch += [pltpu.VMEM((_B, _CHUNK, _D), jnp.float32)] * _NGEN
    scratch += [pltpu.SemaphoreType.DMA] * (1 + 2 * _NGEN)
    return pl.kernel(
        _body,
        mesh=mesh,
        out_type=jax.ShapeDtypeStruct((_B, _MAX_LEN, _D), jnp.float32),
        compiler_params=pltpu.CompilerParams(use_tc_tiling_on_sc=True),
        scratch_types=scratch,
    )(x, table)

# --- scband reference (transcript-rebuilt; emitter-appended) ---
"""Pipeline reference for scband-positional-embedding-22857815949815 (READ-ONLY COPY).

The authoritative reference and input builder live on the scoring server;
editing this copy changes nothing except your own understanding.
"""

import jax, jax.numpy as jnp
import numpy as np

MAX_LEN = 2048
D_MODEL = 1024
BATCH = 4

def setup_inputs(seed: int = 0) -> dict:
    key = jax.random.key(seed)
    k1, k2 = jax.random.split(key)
    x = jax.random.normal(k1, (BATCH, MAX_LEN, D_MODEL), dtype=jnp.float32)
    # learned positional embedding table, sized per init_kwargs (max_len, d_model)
    table = jax.random.normal(k2, (MAX_LEN, D_MODEL), dtype=jnp.float32)
    return {"x": x, "table": table}

def reference(x, table):
    # position buffer: [1, max_len]
    position = jnp.arange(MAX_LEN)[None, :]
    # embedding lookup -> [1, max_len, d_model]
    pos_emb = jnp.take(table, position, axis=0)
    out = x + pos_emb
    # dropout in eval mode is identity
    return out

if __name__ == "__main__":
    import jax
    _d = setup_inputs()
    print(jax.jit(kernel)(*tuple(_d.values())))

</pallas_src>

<mosaic_0001>
#map = affine_map<(d0, d1) -> (0, 0, 0)>
#map1 = affine_map<(d0, d1) -> (0, 0)>
module attributes {stable_mosaic.version = 14 : i64} {
  func.func @_body(%arg0: i32, %arg1: i32, %arg2: memref<4x2048x1024xf32, #tpu.memory_space<hbm>>, %arg3: memref<2048x1024xf32, #tpu.memory_space<hbm>>, %arg4: memref<4x2048x1024xf32, #tpu.memory_space<hbm>>, %arg5: memref<8x1024xf32, #tpu.memory_space<vmem>>, %arg6: memref<8x1024xf32, #tpu.memory_space<vmem>>, %arg7: memref<4x8x1024xf32, #tpu.memory_space<vmem>>, %arg8: memref<4x8x1024xf32, #tpu.memory_space<vmem>>, %arg9: memref<4x8x1024xf32, #tpu.memory_space<vmem>>, %arg10: memref<!tpu.dma_semaphore, #tpu.memory_space<semaphore_mem>>, %arg11: memref<!tpu.dma_semaphore, #tpu.memory_space<semaphore_mem>>, %arg12: memref<!tpu.dma_semaphore, #tpu.memory_space<semaphore_mem>>, %arg13: memref<!tpu.dma_semaphore, #tpu.memory_space<semaphore_mem>>, %arg14: memref<!tpu.dma_semaphore, #tpu.memory_space<semaphore_mem>>, %arg15: memref<!tpu.dma_semaphore, #tpu.memory_space<semaphore_mem>>, %arg16: memref<!tpu.dma_semaphore, #tpu.memory_space<semaphore_mem>>) attributes {dimension_semantics = [#tpu.dimension_semantics<core_parallel>, #tpu.dimension_semantics<subcore_parallel>], iteration_bounds = array<i64: 2, 16>, scalar_prefetch = 0 : i64, scratch_operands = 12 : i64, tpu.core_type = #tpu.core_type<sc_vector_subcore>, window_params = [{transform_indices = #map}, {transform_indices = #map1}, {transform_indices = #map}]} {
    %mul3A = arith.constant 2 : i32
    %mul3A_0 = arith.muli %arg1, %mul3A : i32
    %add3A = arith.addi %mul3A_0, %arg0 : i32
    %mul3A_1 = arith.constant 64 : i32
    %mul3A_2 = arith.muli %add3A, %mul3A_1 : i32
    %add3A_3 = arith.constant 0 : i32
    %add3A_4 = arith.addi %mul3A_2, %add3A_3 : i32
    %dma_start3A = arith.constant 0 : i32
    %dma_start3A_5 = tpu.memref_slice %arg3[%add3A_4, %dma_start3A] : memref<2048x1024xf32, #tpu.memory_space<hbm>> -> memref<8x1024xf32, #tpu.memory_space<hbm>>
    %dma_start3A_6 = arith.constant 0 : i32
    %dma_start3A_7 = tpu.memref_slice %arg3[%add3A_4, %dma_start3A_6] : memref<2048x1024xf32, #tpu.memory_space<hbm>> -> memref<8x1024xf32, #tpu.memory_space<hbm>>
    tpu.enqueue_dma source(%dma_start3A_7 : memref<8x1024xf32, #tpu.memory_space<hbm>>) target(%arg5 : memref<8x1024xf32, #tpu.memory_space<vmem>>) target_semaphore(%arg10 : memref<!tpu.dma_semaphore, #tpu.memory_space<semaphore_mem>>)
    %add3A_8 = arith.constant 8 : i32
    %add3A_9 = arith.addi %mul3A_2, %add3A_8 : i32
    %dma_start3A_10 = arith.constant 0 : i32
    %dma_start3A_11 = tpu.memref_slice %arg3[%add3A_9, %dma_start3A_10] : memref<2048x1024xf32, #tpu.memory_space<hbm>> -> memref<8x1024xf32, #tpu.memory_space<hbm>>
    %dma_start3A_12 = arith.constant 0 : i32
    %dma_start3A_13 = tpu.memref_slice %arg3[%add3A_9, %dma_start3A_12] : memref<2048x1024xf32, #tpu.memory_space<hbm>> -> memref<8x1024xf32, #tpu.memory_space<hbm>>
    tpu.enqueue_dma source(%dma_start3A_13 : memref<8x1024xf32, #tpu.memory_space<hbm>>) target(%arg6 : memref<8x1024xf32, #tpu.memory_space<vmem>>) target_semaphore(%arg10 : memref<!tpu.dma_semaphore, #tpu.memory_space<semaphore_mem>>)
    %add3A_14 = arith.constant 0 : i32
    %add3A_15 = arith.addi %mul3A_2, %add3A_14 : i32
    %dma_start3A_16 = arith.constant 0 : i32
    %dma_start3A_17 = arith.constant 0 : i32
    %dma_start3A_18 = tpu.memref_slice %arg2[%dma_start3A_16, %add3A_15, %dma_start3A_17] : memref<4x2048x1024xf32, #tpu.memory_space<hbm>> -> memref<4x8x1024xf32, #tpu.memory_space<hbm>>
    %dma_start3A_19 = arith.constant 0 : i32
    %dma_start3A_20 = arith.constant 0 : i32
    %dma_start3A_21 = tpu.memref_slice %arg2[%dma_start3A_19, %add3A_15, %dma_start3A_20] : memref<4x2048x1024xf32, #tpu.memory_space<hbm>> -> memref<4x8x1024xf32, #tpu.memory_space<hbm>>
    tpu.enqueue_dma source(%dma_start3A_21 : memref<4x8x1024xf32, #tpu.memory_space<hbm>>) target(%arg7 : memref<4x8x1024xf32, #tpu.memory_space<vmem>>) target_semaphore(%arg11 : memref<!tpu.dma_semaphore, #tpu.memory_space<semaphore_mem>>)
    %add3A_22 = arith.constant 8 : i32
    %add3A_23 = arith.addi %mul3A_2, %add3A_22 : i32
    %dma_start3A_24 = arith.constant 0 : i32
    %dma_start3A_25 = arith.constant 0 : i32
    %dma_start3A_26 = tpu.memref_slice %arg2[%dma_start3A_24, %add3A_23, %dma_start3A_25] : memref<4x2048x1024xf32, #tpu.memory_space<hbm>> -> memref<4x8x1024xf32, #tpu.memory_space<hbm>>
    %dma_start3A_27 = arith.constant 0 : i32
    %dma_start3A_28 = arith.constant 0 : i32
    %dma_start3A_29 = tpu.memref_slice %arg2[%dma_start3A_27, %add3A_23, %dma_start3A_28] : memref<4x2048x1024xf32, #tpu.memory_space<hbm>> -> memref<4x8x1024xf32, #tpu.memory_space<hbm>>
    tpu.enqueue_dma source(%dma_start3A_29 : memref<4x8x1024xf32, #tpu.memory_space<hbm>>) target(%arg8 : memref<4x8x1024xf32, #tpu.memory_space<vmem>>) target_semaphore(%arg12 : memref<!tpu.dma_semaphore, #tpu.memory_space<semaphore_mem>>)
    %dma_wait3A = arith.constant 0 : i32
    %dma_wait3A_30 = tpu.memref_slice %arg3[%add3A_4, %dma_wait3A] : memref<2048x1024xf32, #tpu.memory_space<hbm>> -> memref<8x1024xf32, #tpu.memory_space<hbm>>
    %dma_wait3A_31 = arith.constant 0 : i32
    %dma_wait3A_32 = tpu.memref_slice %arg3[%add3A_4, %dma_wait3A_31] : memref<2048x1024xf32, #tpu.memory_space<hbm>> -> memref<8x1024xf32, #tpu.memory_space<hbm>>
    tpu.wait_dma2 semaphore(%arg10 : memref<!tpu.dma_semaphore, #tpu.memory_space<semaphore_mem>>) src(%dma_wait3A_32 : memref<8x1024xf32, #tpu.memory_space<hbm>>) dst(%arg5 : memref<8x1024xf32, #tpu.memory_space<vmem>>)
    %dma_wait3A_33 = arith.constant 0 : i32
    %dma_wait3A_34 = arith.constant 0 : i32
    %dma_wait3A_35 = tpu.memref_slice %arg2[%dma_wait3A_33, %add3A_15, %dma_wait3A_34] : memref<4x2048x1024xf32, #tpu.memory_space<hbm>> -> memref<4x8x1024xf32, #tpu.memory_space<hbm>>
    %dma_wait3A_36 = arith.constant 0 : i32
    %dma_wait3A_37 = arith.constant 0 : i32
    %dma_wait3A_38 = tpu.memref_slice %arg2[%dma_wait3A_36, %add3A_15, %dma_wait3A_37] : memref<4x2048x1024xf32, #tpu.memory_space<hbm>> -> memref<4x8x1024xf32, #tpu.memory_space<hbm>>
    tpu.wait_dma2 semaphore(%arg11 : memref<!tpu.dma_semaphore, #tpu.memory_space<semaphore_mem>>) src(%dma_wait3A_38 : memref<4x8x1024xf32, #tpu.memory_space<hbm>>) dst(%arg7 : memref<4x8x1024xf32, #tpu.memory_space<vmem>>)
    %parallel_loop3A = arith.constant 0 : i32
    %parallel_loop3A_39 = arith.constant 512 : i32
    %parallel_loop3A_40 = arith.constant 1 : i32
    scf.for %parallel_loop3A_328 = %parallel_loop3A to %parallel_loop3A_39 step %parallel_loop3A_40  : i32 {
      %parallel_loop3A_329 = arith.constant 6 : i32
      %parallel_loop3A_330 = arith.shrsi %parallel_loop3A_328, %parallel_loop3A_329 : i32
      %parallel_loop3A_331 = arith.constant 63 : i32
      %parallel_loop3A_332 = arith.andi %parallel_loop3A_328, %parallel_loop3A_331 : i32
      %parallel_loop3A_333 = arith.constant 16 : i32
      %parallel_loop3A_334 = arith.muli %parallel_loop3A_332, %parallel_loop3A_333 : i32
      %parallel_loop3A_335 = arith.index_cast %parallel_loop3A_330 : i32 to index
      %parallel_loop3A_336 = arith.index_cast %parallel_loop3A_334 : i32 to index
      %parallel_loop3A_337 = tpu.vector_load %arg5[%parallel_loop3A_335, %parallel_loop3A_336] {strides = array<i32>} : memref<8x1024xf32, #tpu.memory_space<vmem>>, vector<1x16xf32>,
      %parallel_loop3A_338 = vector.shape_cast %parallel_loop3A_337 : vector<1x16xf32> to vector<16xf32>
      %parallel_loop3A_339 = arith.constant 0 : i32
      %parallel_loop3A_340 = arith.index_cast %parallel_loop3A_339 : i32 to index
      %parallel_loop3A_341 = arith.index_cast %parallel_loop3A_330 : i32 to index
      %parallel_loop3A_342 = arith.index_cast %parallel_loop3A_334 : i32 to index
      %parallel_loop3A_343 = tpu.vector_load %arg7[%parallel_loop3A_340, %parallel_loop3A_341, %parallel_loop3A_342] {strides = array<i32>} : memref<4x8x1024xf32, #tpu.memory_space<vmem>>, vector<1x1x16xf32>,
      %parallel_loop3A_344 = vector.shape_cast %parallel_loop3A_343 : vector<1x1x16xf32> to vector<16xf32>
      %parallel_loop3A_345 = arith.addf %parallel_loop3A_344, %parallel_loop3A_338 : vector<16xf32>
      %parallel_loop3A_346 = arith.constant 0 : i32
      %parallel_loop3A_347 = arith.index_cast %parallel_loop3A_346 : i32 to index
      %parallel_loop3A_348 = arith.index_cast %parallel_loop3A_330 : i32 to index
      %parallel_loop3A_349 = arith.index_cast %parallel_loop3A_334 : i32 to index
      %parallel_loop3A_350 = tpu.vector_load %arg7[%parallel_loop3A_347, %parallel_loop3A_348, %parallel_loop3A_349] {strides = array<i32>} : memref<4x8x1024xf32, #tpu.memory_space<vmem>>, vector<1x1x16xf32>,
      %parallel_loop3A_351 = vector.shape_cast %parallel_loop3A_350 : vector<1x1x16xf32> to vector<16xf32>
      %parallel_loop3A_352 = vector.shape_cast %parallel_loop3A_345 : vector<16xf32> to vector<1x1x16xf32>
      tpu.vector_store %arg7[%parallel_loop3A_347, %parallel_loop3A_348, %parallel_loop3A_349], %parallel_loop3A_352 {strides = array<i32>} : memref<4x8x1024xf32, #tpu.memory_space<vmem>>, vector<1x1x16xf32>,
      %parallel_loop3A_353 = arith.constant 1 : i32
      %parallel_loop3A_354 = arith.index_cast %parallel_loop3A_353 : i32 to index
      %parallel_loop3A_355 = arith.index_cast %parallel_loop3A_330 : i32 to index
      %parallel_loop3A_356 = arith.index_cast %parallel_loop3A_334 : i32 to index
      %parallel_loop3A_357 = tpu.vector_load %arg7[%parallel_loop3A_354, %parallel_loop3A_355, %parallel_loop3A_356] {strides = array<i32>} : memref<4x8x1024xf32, #tpu.memory_space<vmem>>, vector<1x1x16xf32>,
      %parallel_loop3A_358 = vector.shape_cast %parallel_loop3A_357 : vector<1x1x16xf32> to vector<16xf32>
      %parallel_loop3A_359 = arith.addf %parallel_loop3A_358, %parallel_loop3A_338 : vector<16xf32>
      %parallel_loop3A_360 = arith.constant 1 : i32
      %parallel_loop3A_361 = arith.index_cast %parallel_loop3A_360 : i32 to index
      %parallel_loop3A_362 = arith.index_cast %parallel_loop3A_330 : i32 to index
      %parallel_loop3A_363 = arith.index_cast %parallel_loop3A_334 : i32 to index
      %parallel_loop3A_364 = tpu.vector_load %arg7[%parallel_loop3A_361, %parallel_loop3A_362, %parallel_loop3A_363] {strides = array<i32>} : memref<4x8x1024xf32, #tpu.memory_space<vmem>>, vector<1x1x16xf32>,
      %parallel_loop3A_365 = vector.shape_cast %parallel_loop3A_364 : vector<1x1x16xf32> to vector<16xf32>
      %parallel_loop3A_366 = vector.shape_cast %parallel_loop3A_359 : vector<16xf32> to vector<1x1x16xf32>
      tpu.vector_store %arg7[%parallel_loop3A_361, %parallel_loop3A_362, %parallel_loop3A_363], %parallel_loop3A_366 {strides = array<i32>} : memref<4x8x1024xf32, #tpu.memory_space<vmem>>, vector<1x1x16xf32>,
      %parallel_loop3A_367 = arith.constant 2 : i32
      %parallel_loop3A_368 = arith.index_cast %parallel_loop3A_367 : i32 to index
      %parallel_loop3A_369 = arith.index_cast %parallel_loop3A_330 : i32 to index
      %parallel_loop3A_370 = arith.index_cast %parallel_loop3A_334 : i32 to index
      %parallel_loop3A_371 = tpu.vector_load %arg7[%parallel_loop3A_368, %parallel_loop3A_369, %parallel_loop3A_370] {strides = array<i32>} : memref<4x8x1024xf32, #tpu.memory_space<vmem>>, vector<1x1x16xf32>,
      %parallel_loop3A_372 = vector.shape_cast %parallel_loop3A_371 : vector<1x1x16xf32> to vector<16xf32>
      %parallel_loop3A_373 = arith.addf %parallel_loop3A_372, %parallel_loop3A_338 : vector<16xf32>
      %parallel_loop3A_374 = arith.constant 2 : i32
      %parallel_loop3A_375 = arith.index_cast %parallel_loop3A_374 : i32 to index
      %parallel_loop3A_376 = arith.index_cast %parallel_loop3A_330 : i32 to index
      %parallel_loop3A_377 = arith.index_cast %parallel_loop3A_334 : i32 to index
      %parallel_loop3A_378 = tpu.vector_load %arg7[%parallel_loop3A_375, %parallel_loop3A_376, %parallel_loop3A_377] {strides = array<i32>} : memref<4x8x1024xf32, #tpu.memory_space<vmem>>, vector<1x1x16xf32>,
      %parallel_loop3A_379 = vector.shape_cast %parallel_loop3A_378 : vector<1x1x16xf32> to vector<16xf32>
      %parallel_loop3A_380 = vector.shape_cast %parallel_loop3A_373 : vector<16xf32> to vector<1x1x16xf32>
      tpu.vector_store %arg7[%parallel_loop3A_375, %parallel_loop3A_376, %parallel_loop3A_377], %parallel_loop3A_380 {strides = array<i32>} : memref<4x8x1024xf32, #tpu.memory_space<vmem>>, vector<1x1x16xf32>,
      %parallel_loop3A_381 = arith.constant 3 : i32
      %parallel_loop3A_382 = arith.index_cast %parallel_loop3A_381 : i32 to index
      %parallel_loop3A_383 = arith.index_cast %parallel_loop3A_330 : i32 to index
      %parallel_loop3A_384 = arith.index_cast %parallel_loop3A_334 : i32 to index
      %parallel_loop3A_385 = tpu.vector_load %arg7[%parallel_loop3A_382, %parallel_loop3A_383, %parallel_loop3A_384] {strides = array<i32>} : memref<4x8x1024xf32, #tpu.memory_space<vmem>>, vector<1x1x16xf32>,
      %parallel_loop3A_386 = vector.shape_cast %parallel_loop3A_385 : vector<1x1x16xf32> to vector<16xf32>
      %parallel_loop3A_387 = arith.addf %parallel_loop3A_386, %parallel_loop3A_338 : vector<16xf32>
      %parallel_loop3A_388 = arith.constant 3 : i32
      %parallel_loop3A_389 = arith.index_cast %parallel_loop3A_388 : i32 to index
      %parallel_loop3A_390 = arith.index_cast %parallel_loop3A_330 : i32 to index
      %parallel_loop3A_391 = arith.index_cast %parallel_loop3A_334 : i32 to index
      %parallel_loop3A_392 = tpu.vector_load %arg7[%parallel_loop3A_389, %parallel_loop3A_390, %parallel_loop3A_391] {strides = array<i32>} : memref<4x8x1024xf32, #tpu.memory_space<vmem>>, vector<1x1x16xf32>,
      %parallel_loop3A_393 = vector.shape_cast %parallel_loop3A_392 : vector<1x1x16xf32> to vector<16xf32>
      %parallel_loop3A_394 = vector.shape_cast %parallel_loop3A_387 : vector<16xf32> to vector<1x1x16xf32>
      tpu.vector_store %arg7[%parallel_loop3A_389, %parallel_loop3A_390, %parallel_loop3A_391], %parallel_loop3A_394 {strides = array<i32>} : memref<4x8x1024xf32, #tpu.memory_space<vmem>>, vector<1x1x16xf32>,
    } {sc.loop_unroll_factor = 8 : i64, sc.parallel_access}
    %add3A_41 = arith.constant 16 : i32
    %add3A_42 = arith.addi %mul3A_2, %add3A_41 : i32
    %dma_start3A_43 = arith.constant 0 : i32
    %dma_start3A_44 = tpu.memref_slice %arg3[%add3A_42, %dma_start3A_43] : memref<2048x1024xf32, #tpu.memory_space<hbm>> -> memref<8x1024xf32, #tpu.memory_space<hbm>>
    %dma_start3A_45 = arith.constant 0 : i32
    %dma_start3A_46 = tpu.memref_slice %arg3[%add3A_42, %dma_start3A_45] : memref<2048x1024xf32, #tpu.memory_space<hbm>> -> memref<8x1024xf32, #tpu.memory_space<hbm>>
    tpu.enqueue_dma source(%dma_start3A_46 : memref<8x1024xf32, #tpu.memory_space<hbm>>) target(%arg5 : memref<8x1024xf32, #tpu.memory_space<vmem>>) target_semaphore(%arg10 : memref<!tpu.dma_semaphore, #tpu.memory_space<semaphore_mem>>)
    %add3A_47 = arith.constant 0 : i32
    %add3A_48 = arith.addi %mul3A_2, %add3A_47 : i32
    %dma_start3A_49 = arith.constant 0 : i32
    %dma_start3A_50 = arith.constant 0 : i32
    %dma_start3A_51 = tpu.memref_slice %arg4[%dma_start3A_49, %add3A_48, %dma_start3A_50] : memref<4x2048x1024xf32, #tpu.memory_space<hbm>> -> memref<4x8x1024xf32, #tpu.memory_space<hbm>>
    %dma_start3A_52 = arith.constant 0 : i32
    %dma_start3A_53 = arith.constant 0 : i32
    %dma_start3A_54 = tpu.memref_slice %arg4[%dma_start3A_52, %add3A_48, %dma_start3A_53] : memref<4x2048x1024xf32, #tpu.memory_space<hbm>> -> memref<4x8x1024xf32, #tpu.memory_space<hbm>>
    tpu.enqueue_dma source(%arg7 : memref<4x8x1024xf32, #tpu.memory_space<vmem>>) target(%dma_start3A_54 : memref<4x8x1024xf32, #tpu.memory_space<hbm>>) target_semaphore(%arg14 : memref<!tpu.dma_semaphore, #tpu.memory_space<semaphore_mem>>)
    %add3A_55 = arith.constant 16 : i32
    %add3A_56 = arith.addi %mul3A_2, %add3A_55 : i32
    %dma_start3A_57 = arith.constant 0 : i32
    %dma_start3A_58 = arith.constant 0 : i32
    %dma_start3A_59 = tpu.memref_slice %arg2[%dma_start3A_57, %add3A_56, %dma_start3A_58] : memref<4x2048x1024xf32, #tpu.memory_space<hbm>> -> memref<4x8x1024xf32, #tpu.memory_space<hbm>>
    %dma_start3A_60 = arith.constant 0 : i32
    %dma_start3A_61 = arith.constant 0 : i32
    %dma_start3A_62 = tpu.memref_slice %arg2[%dma_start3A_60, %add3A_56, %dma_start3A_61] : memref<4x2048x1024xf32, #tpu.memory_space<hbm>> -> memref<4x8x1024xf32, #tpu.memory_space<hbm>>
    tpu.enqueue_dma source(%dma_start3A_62 : memref<4x8x1024xf32, #tpu.memory_space<hbm>>) target(%arg9 : memref<4x8x1024xf32, #tpu.memory_space<vmem>>) target_semaphore(%arg13 : memref<!tpu.dma_semaphore, #tpu.memory_space<semaphore_mem>>)
    %dma_wait3A_63 = arith.constant 0 : i32
    %dma_wait3A_64 = tpu.memref_slice %arg3[%add3A_9, %dma_wait3A_63] : memref<2048x1024xf32, #tpu.memory_space<hbm>> -> memref<8x1024xf32, #tpu.memory_space<hbm>>
    %dma_wait3A_65 = arith.constant 0 : i32
    %dma_wait3A_66 = tpu.memref_slice %arg3[%add3A_9, %dma_wait3A_65] : memref<2048x1024xf32, #tpu.memory_space<hbm>> -> memref<8x1024xf32, #tpu.memory_space<hbm>>
    tpu.wait_dma2 semaphore(%arg10 : memref<!tpu.dma_semaphore, #tpu.memory_space<semaphore_mem>>) src(%dma_wait3A_66 : memref<8x1024xf32, #tpu.memory_space<hbm>>) dst(%arg6 : memref<8x1024xf32, #tpu.memory_space<vmem>>)
    %dma_wait3A_67 = arith.constant 0 : i32
    %dma_wait3A_68 = arith.constant 0 : i32
    %dma_wait3A_69 = tpu.memref_slice %arg2[%dma_wait3A_67, %add3A_23, %dma_wait3A_68] : memref<4x2048x1024xf32, #tpu.memory_space<hbm>> -> memref<4x8x1024xf32, #tpu.memory_space<hbm>>
    %dma_wait3A_70 = arith.constant 0 : i32
    %dma_wait3A_71 = arith.constant 0 : i32
    %dma_wait3A_72 = tpu.memref_slice %arg2[%dma_wait3A_70, %add3A_23, %dma_wait3A_71] : memref<4x2048x1024xf32, #tpu.memory_space<hbm>> -> memref<4x8x1024xf32, #tpu.memory_space<hbm>>
    tpu.wait_dma2 semaphore(%arg12 : memref<!tpu.dma_semaphore, #tpu.memory_space<semaphore_mem>>) src(%dma_wait3A_72 : memref<4x8x1024xf32, #tpu.memory_space<hbm>>) dst(%arg8 : memref<4x8x1024xf32, #tpu.memory_space<vmem>>)
    %parallel_loop3A_73 = arith.constant 0 : i32
    %parallel_loop3A_74 = arith.constant 512 : i32
    %parallel_loop3A_75 = arith.constant 1 : i32
    scf.for %parallel_loop3A_328 = %parallel_loop3A_73 to %parallel_loop3A_74 step %parallel_loop3A_75  : i32 {
      %parallel_loop3A_329 = arith.constant 6 : i32
      %parallel_loop3A_330 = arith.shrsi %parallel_loop3A_328, %parallel_loop3A_329 : i32
      %parallel_loop3A_331 = arith.constant 63 : i32
      %parallel_loop3A_332 = arith.andi %parallel_loop3A_328, %parallel_loop3A_331 : i32
      %parallel_loop3A_333 = arith.constant 16 : i32
      %parallel_loop3A_334 = arith.muli %parallel_loop3A_332, %parallel_loop3A_333 : i32
      %parallel_loop3A_335 = arith.index_cast %parallel_loop3A_330 : i32 to index
      %parallel_loop3A_336 = arith.index_cast %parallel_loop3A_334 : i32 to index
      %parallel_loop3A_337 = tpu.vector_load %arg6[%parallel_loop3A_335, %parallel_loop3A_336] {strides = array<i32>} : memref<8x1024xf32, #tpu.memory_space<vmem>>, vector<1x16xf32>,
      %parallel_loop3A_338 = vector.shape_cast %parallel_loop3A_337 : vector<1x16xf32> to vector<16xf32>
      %parallel_loop3A_339 = arith.constant 0 : i32
      %parallel_loop3A_340 = arith.index_cast %parallel_loop3A_339 : i32 to index
      %parallel_loop3A_341 = arith.index_cast %parallel_loop3A_330 : i32 to index
      %parallel_loop3A_342 = arith.index_cast %parallel_loop3A_334 : i32 to index
      %parallel_loop3A_343 = tpu.vector_load %arg8[%parallel_loop3A_340, %parallel_loop3A_341, %parallel_loop3A_342] {strides = array<i32>} : memref<4x8x1024xf32, #tpu.memory_space<vmem>>, vector<1x1x16xf32>,
      %parallel_loop3A_344 = vector.shape_cast %parallel_loop3A_343 : vector<1x1x16xf32> to vector<16xf32>
      %parallel_loop3A_345 = arith.addf %parallel_loop3A_344, %parallel_loop3A_338 : vector<16xf32>
      %parallel_loop3A_346 = arith.constant 0 : i32
      %parallel_loop3A_347 = arith.index_cast %parallel_loop3A_346 : i32 to index
      %parallel_loop3A_348 = arith.index_cast %parallel_loop3A_330 : i32 to index
      %parallel_loop3A_349 = arith.index_cast %parallel_loop3A_334 : i32 to index
      %parallel_loop3A_350 = tpu.vector_load %arg8[%parallel_loop3A_347, %parallel_loop3A_348, %parallel_loop3A_349] {strides = array<i32>} : memref<4x8x1024xf32, #tpu.memory_space<vmem>>, vector<1x1x16xf32>,
      %parallel_loop3A_351 = vector.shape_cast %parallel_loop3A_350 : vector<1x1x16xf32> to vector<16xf32>
      %parallel_loop3A_352 = vector.shape_cast %parallel_loop3A_345 : vector<16xf32> to vector<1x1x16xf32>
      tpu.vector_store %arg8[%parallel_loop3A_347, %parallel_loop3A_348, %parallel_loop3A_349], %parallel_loop3A_352 {strides = array<i32>} : memref<4x8x1024xf32, #tpu.memory_space<vmem>>, vector<1x1x16xf32>,
      %parallel_loop3A_353 = arith.constant 1 : i32
      %parallel_loop3A_354 = arith.index_cast %parallel_loop3A_353 : i32 to index
      %parallel_loop3A_355 = arith.index_cast %parallel_loop3A_330 : i32 to index
      %parallel_loop3A_356 = arith.index_cast %parallel_loop3A_334 : i32 to index
      %parallel_loop3A_357 = tpu.vector_load %arg8[%parallel_loop3A_354, %parallel_loop3A_355, %parallel_loop3A_356] {strides = array<i32>} : memref<4x8x1024xf32, #tpu.memory_space<vmem>>, vector<1x1x16xf32>,
      %parallel_loop3A_358 = vector.shape_cast %parallel_loop3A_357 : vector<1x1x16xf32> to vector<16xf32>
      %parallel_loop3A_359 = arith.addf %parallel_loop3A_358, %parallel_loop3A_338 : vector<16xf32>
      %parallel_loop3A_360 = arith.constant 1 : i32
      %parallel_loop3A_361 = arith.index_cast %parallel_loop3A_360 : i32 to index
      %parallel_loop3A_362 = arith.index_cast %parallel_loop3A_330 : i32 to index
      %parallel_loop3A_363 = arith.index_cast %parallel_loop3A_334 : i32 to index
      %parallel_loop3A_364 = tpu.vector_load %arg8[%parallel_loop3A_361, %parallel_loop3A_362, %parallel_loop3A_363] {strides = array<i32>} : memref<4x8x1024xf32, #tpu.memory_space<vmem>>, vector<1x1x16xf32>,
      %parallel_loop3A_365 = vector.shape_cast %parallel_loop3A_364 : vector<1x1x16xf32> to vector<16xf32>
      %parallel_loop3A_366 = vector.shape_cast %parallel_loop3A_359 : vector<16xf32> to vector<1x1x16xf32>
      tpu.vector_store %arg8[%parallel_loop3A_361, %parallel_loop3A_362, %parallel_loop3A_363], %parallel_loop3A_366 {strides = array<i32>} : memref<4x8x1024xf32, #tpu.memory_space<vmem>>, vector<1x1x16xf32>,
      %parallel_loop3A_367 = arith.constant 2 : i32
      %parallel_loop3A_368 = arith.index_cast %parallel_loop3A_367 : i32 to index
      %parallel_loop3A_369 = arith.index_cast %parallel_loop3A_330 : i32 to index
      %parallel_loop3A_370 = arith.index_cast %parallel_loop3A_334 : i32 to index
      %parallel_loop3A_371 = tpu.vector_load %arg8[%parallel_loop3A_368, %parallel_loop3A_369, %parallel_loop3A_370] {strides = array<i32>} : memref<4x8x1024xf32, #tpu.memory_space<vmem>>, vector<1x1x16xf32>,
      %parallel_loop3A_372 = vector.shape_cast %parallel_loop3A_371 : vector<1x1x16xf32> to vector<16xf32>
      %parallel_loop3A_373 = arith.addf %parallel_loop3A_372, %parallel_loop3A_338 : vector<16xf32>
      %parallel_loop3A_374 = arith.constant 2 : i32
      %parallel_loop3A_375 = arith.index_cast %parallel_loop3A_374 : i32 to index
      %parallel_loop3A_376 = arith.index_cast %parallel_loop3A_330 : i32 to index
      %parallel_loop3A_377 = arith.index_cast %parallel_loop3A_334 : i32 to index
      %parallel_loop3A_378 = tpu.vector_load %arg8[%parallel_loop3A_375, %parallel_loop3A_376, %parallel_loop3A_377] {strides = array<i32>} : memref<4x8x1024xf32, #tpu.memory_space<vmem>>, vector<1x1x16xf32>,
      %parallel_loop3A_379 = vector.shape_cast %parallel_loop3A_378 : vector<1x1x16xf32> to vector<16xf32>
      %parallel_loop3A_380 = vector.shape_cast %parallel_loop3A_373 : vector<16xf32> to vector<1x1x16xf32>
      tpu.vector_store %arg8[%parallel_loop3A_375, %parallel_loop3A_376, %parallel_loop3A_377], %parallel_loop3A_380 {strides = array<i32>} : memref<4x8x1024xf32, #tpu.memory_space<vmem>>, vector<1x1x16xf32>,
      %parallel_loop3A_381 = arith.constant 3 : i32
      %parallel_loop3A_382 = arith.index_cast %parallel_loop3A_381 : i32 to index
      %parallel_loop3A_383 = arith.index_cast %parallel_loop3A_330 : i32 to index
      %parallel_loop3A_384 = arith.index_cast %parallel_loop3A_334 : i32 to index
      %parallel_loop3A_385 = tpu.vector_load %arg8[%parallel_loop3A_382, %parallel_loop3A_383, %parallel_loop3A_384] {strides = array<i32>} : memref<4x8x1024xf32, #tpu.memory_space<vmem>>, vector<1x1x16xf32>,
      %parallel_loop3A_386 = vector.shape_cast %parallel_loop3A_385 : vector<1x1x16xf32> to vector<16xf32>
      %parallel_loop3A_387 = arith.addf %parallel_loop3A_386, %parallel_loop3A_338 : vector<16xf32>
      %parallel_loop3A_388 = arith.constant 3 : i32
      %parallel_loop3A_389 = arith.index_cast %parallel_loop3A_388 : i32 to index
      %parallel_loop3A_390 = arith.index_cast %parallel_loop3A_330 : i32 to index
      %parallel_loop3A_391 = arith.index_cast %parallel_loop3A_334 : i32 to index
      %parallel_loop3A_392 = tpu.vector_load %arg8[%parallel_loop3A_389, %parallel_loop3A_390, %parallel_loop3A_391] {strides = array<i32>} : memref<4x8x1024xf32, #tpu.memory_space<vmem>>, vector<1x1x16xf32>,
      %parallel_loop3A_393 = vector.shape_cast %parallel_loop3A_392 : vector<1x1x16xf32> to vector<16xf32>
      %parallel_loop3A_394 = vector.shape_cast %parallel_loop3A_387 : vector<16xf32> to vector<1x1x16xf32>
      tpu.vector_store %arg8[%parallel_loop3A_389, %parallel_loop3A_390, %parallel_loop3A_391], %parallel_loop3A_394 {strides = array<i32>} : memref<4x8x1024xf32, #tpu.memory_space<vmem>>, vector<1x1x16xf32>,
    } {sc.loop_unroll_factor = 8 : i64, sc.parallel_access}
    %add3A_76 = arith.constant 24 : i32
    %add3A_77 = arith.addi %mul3A_2, %add3A_76 : i32
    %dma_start3A_78 = arith.constant 0 : i32
    %dma_start3A_79 = tpu.memref_slice %arg3[%add3A_77, %dma_start3A_78] : memref<2048x1024xf32, #tpu.memory_space<hbm>> -> memref<8x1024xf32, #tpu.memory_space<hbm>>
    %dma_start3A_80 = arith.constant 0 : i32
    %dma_start3A_81 = tpu.memref_slice %arg3[%add3A_77, %dma_start3A_80] : memref<2048x1024xf32, #tpu.memory_space<hbm>> -> memref<8x1024xf32, #tpu.memory_space<hbm>>
    tpu.enqueue_dma source(%dma_start3A_81 : memref<8x1024xf32, #tpu.memory_space<hbm>>) target(%arg6 : memref<8x1024xf32, #tpu.memory_space<vmem>>) target_semaphore(%arg10 : memref<!tpu.dma_semaphore, #tpu.memory_space<semaphore_mem>>)
    %add3A_82 = arith.constant 8 : i32
    %add3A_83 = arith.addi %mul3A_2, %add3A_82 : i32
    %dma_start3A_84 = arith.constant 0 : i32
    %dma_start3A_85 = arith.constant 0 : i32
    %dma_start3A_86 = tpu.memref_slice %arg4[%dma_start3A_84, %add3A_83, %dma_start3A_85] : memref<4x2048x1024xf32, #tpu.memory_space<hbm>> -> memref<4x8x1024xf32, #tpu.memory_space<hbm>>
    %dma_start3A_87 = arith.constant 0 : i32
    %dma_start3A_88 = arith.constant 0 : i32
    %dma_start3A_89 = tpu.memref_slice %arg4[%dma_start3A_87, %add3A_83, %dma_start3A_88] : memref<4x2048x1024xf32, #tpu.memory_space<hbm>> -> memref<4x8x1024xf32, #tpu.memory_space<hbm>>
    tpu.enqueue_dma source(%arg8 : memref<4x8x1024xf32, #tpu.memory_space<vmem>>) target(%dma_start3A_89 : memref<4x8x1024xf32, #tpu.memory_space<hbm>>) target_semaphore(%arg15 : memref<!tpu.dma_semaphore, #tpu.memory_space<semaphore_mem>>)
    %dma_wait3A_90 = arith.constant 0 : i32
    %dma_wait3A_91 = arith.constant 0 : i32
    %dma_wait3A_92 = tpu.memref_slice %arg4[%dma_wait3A_90, %add3A_48, %dma_wait3A_91] : memref<4x2048x1024xf32, #tpu.memory_space<hbm>> -> memref<4x8x1024xf32, #tpu.memory_space<hbm>>
    %dma_wait3A_93 = arith.constant 0 : i32
    %dma_wait3A_94 = arith.constant 0 : i32
    %dma_wait3A_95 = tpu.memref_slice %arg4[%dma_wait3A_93, %add3A_48, %dma_wait3A_94] : memref<4x2048x1024xf32, #tpu.memory_space<hbm>> -> memref<4x8x1024xf32, #tpu.memory_space<hbm>>
    tpu.wait_dma2 semaphore(%arg14 : memref<!tpu.dma_semaphore, #tpu.memory_space<semaphore_mem>>) src(%arg7 : memref<4x8x1024xf32, #tpu.memory_space<vmem>>) dst(%dma_wait3A_95 : memref<4x8x1024xf32, #tpu.memory_space<hbm>>)
    %add3A_96 = arith.constant 24 : i32
    %add3A_97 = arith.addi %mul3A_2, %add3A_96 : i32
    %dma_start3A_98 = arith.constant 0 : i32
    %dma_start3A_99 = arith.constant 0 : i32
    %dma_start3A_100 = tpu.memref_slice %arg2[%dma_start3A_98, %add3A_97, %dma_start3A_99] : memref<4x2048x1024xf32, #tpu.memory_space<hbm>> -> memref<4x8x1024xf32, #tpu.memory_space<hbm>>
    %dma_start3A_101 = arith.constant 0 : i32
    %dma_start3A_102 = arith.constant 0 : i32
    %dma_start3A_103 = tpu.memref_slice %arg2[%dma_start3A_101, %add3A_97, %dma_start3A_102] : memref<4x2048x1024xf32, #tpu.memory_space<hbm>> -> memref<4x8x1024xf32, #tpu.memory_space<hbm>>
    tpu.enqueue_dma source(%dma_start3A_103 : memref<4x8x1024xf32, #tpu.memory_space<hbm>>) target(%arg7 : memref<4x8x1024xf32, #tpu.memory_space<vmem>>) target_semaphore(%arg11 : memref<!tpu.dma_semaphore, #tpu.memory_space<semaphore_mem>>)
    %dma_wait3A_104 = arith.constant 0 : i32
    %dma_wait3A_105 = tpu.memref_slice %arg3[%add3A_42, %dma_wait3A_104] : memref<2048x1024xf32, #tpu.memory_space<hbm>> -> memref<8x1024xf32, #tpu.memory_space<hbm>>
    %dma_wait3A_106 = arith.constant 0 : i32
    %dma_wait3A_107 = tpu.memref_slice %arg3[%add3A_42, %dma_wait3A_106] : memref<2048x1024xf32, #tpu.memory_space<hbm>> -> memref<8x1024xf32, #tpu.memory_space<hbm>>
    tpu.wait_dma2 semaphore(%arg10 : memref<!tpu.dma_semaphore, #tpu.memory_space<semaphore_mem>>) src(%dma_wait3A_107 : memref<8x1024xf32, #tpu.memory_space<hbm>>) dst(%arg5 : memref<8x1024xf32, #tpu.memory_space<vmem>>)
    %dma_wait3A_108 = arith.constant 0 : i32
    %dma_wait3A_109 = arith.constant 0 : i32
    %dma_wait3A_110 = tpu.memref_slice %arg2[%dma_wait3A_108, %add3A_56, %dma_wait3A_109] : memref<4x2048x1024xf32, #tpu.memory_space<hbm>> -> memref<4x8x1024xf32, #tpu.memory_space<hbm>>
    %dma_wait3A_111 = arith.constant 0 : i32
    %dma_wait3A_112 = arith.constant 0 : i32
    %dma_wait3A_113 = tpu.memref_slice %arg2[%dma_wait3A_111, %add3A_56, %dma_wait3A_112] : memref<4x2048x1024xf32, #tpu.memory_space<hbm>> -> memref<4x8x1024xf32, #tpu.memory_space<hbm>>
    tpu.wait_dma2 semaphore(%arg13 : memref<!tpu.dma_semaphore, #tpu.memory_space<semaphore_mem>>) src(%dma_wait3A_113 : memref<4x8x1024xf32, #tpu.memory_space<hbm>>) dst(%arg9 : memref<4x8x1024xf32, #tpu.memory_space<vmem>>)
    %parallel_loop3A_114 = arith.constant 0 : i32
    %parallel_loop3A_115 = arith.constant 512 : i32
    %parallel_loop3A_116 = arith.constant 1 : i32
    scf.for %parallel_loop3A_328 = %parallel_loop3A_114 to %parallel_loop3A_115 step %parallel_loop3A_116  : i32 {
      %parallel_loop3A_329 = arith.constant 6 : i32
      %parallel_loop3A_330 = arith.shrsi %parallel_loop3A_328, %parallel_loop3A_329 : i32
      %parallel_loop3A_331 = arith.constant 63 : i32
      %parallel_loop3A_332 = arith.andi %parallel_loop3A_328, %parallel_loop3A_331 : i32
      %parallel_loop3A_333 = arith.constant 16 : i32
      %parallel_loop3A_334 = arith.muli %parallel_loop3A_332, %parallel_loop3A_333 : i32
      %parallel_loop3A_335 = arith.index_cast %parallel_loop3A_330 : i32 to index
      %parallel_loop3A_336 = arith.index_cast %parallel_loop3A_334 : i32 to index
      %parallel_loop3A_337 = tpu.vector_load %arg5[%parallel_loop3A_335, %parallel_loop3A_336] {strides = array<i32>} : memref<8x1024xf32, #tpu.memory_space<vmem>>, vector<1x16xf32>,
      %parallel_loop3A_338 = vector.shape_cast %parallel_loop3A_337 : vector<1x16xf32> to vector<16xf32>
      %parallel_loop3A_339 = arith.constant 0 : i32
      %parallel_loop3A_340 = arith.index_cast %parallel_loop3A_339 : i32 to index
      %parallel_loop3A_341 = arith.index_cast %parallel_loop3A_330 : i32 to index
      %parallel_loop3A_342 = arith.index_cast %parallel_loop3A_334 : i32 to index
      %parallel_loop3A_343 = tpu.vector_load %arg9[%parallel_loop3A_340, %parallel_loop3A_341, %parallel_loop3A_342] {strides = array<i32>} : memref<4x8x1024xf32, #tpu.memory_space<vmem>>, vector<1x1x16xf32>,
      %parallel_loop3A_344 = vector.shape_cast %parallel_loop3A_343 : vector<1x1x16xf32> to vector<16xf32>
      %parallel_loop3A_345 = arith.addf %parallel_loop3A_344, %parallel_loop3A_338 : vector<16xf32>
      %parallel_loop3A_346 = arith.constant 0 : i32
      %parallel_loop3A_347 = arith.index_cast %parallel_loop3A_346 : i32 to index
      %parallel_loop3A_348 = arith.index_cast %parallel_loop3A_330 : i32 to index
      %parallel_loop3A_349 = arith.index_cast %parallel_loop3A_334 : i32 to index
      %parallel_loop3A_350 = tpu.vector_load %arg9[%parallel_loop3A_347, %parallel_loop3A_348, %parallel_loop3A_349] {strides = array<i32>} : memref<4x8x1024xf32, #tpu.memory_space<vmem>>, vector<1x1x16xf32>,
      %parallel_loop3A_351 = vector.shape_cast %parallel_loop3A_350 : vector<1x1x16xf32> to vector<16xf32>
      %parallel_loop3A_352 = vector.shape_cast %parallel_loop3A_345 : vector<16xf32> to vector<1x1x16xf32>
      tpu.vector_store %arg9[%parallel_loop3A_347, %parallel_loop3A_348, %parallel_loop3A_349], %parallel_loop3A_352 {strides = array<i32>} : memref<4x8x1024xf32, #tpu.memory_space<vmem>>, vector<1x1x16xf32>,
      %parallel_loop3A_353 = arith.constant 1 : i32
      %parallel_loop3A_354 = arith.index_cast %parallel_loop3A_353 : i32 to index
      %parallel_loop3A_355 = arith.index_cast %parallel_loop3A_330 : i32 to index
      %parallel_loop3A_356 = arith.index_cast %parallel_loop3A_334 : i32 to index
      %parallel_loop3A_357 = tpu.vector_load %arg9[%parallel_loop3A_354, %parallel_loop3A_355, %parallel_loop3A_356] {strides = array<i32>} : memref<4x8x1024xf32, #tpu.memory_space<vmem>>, vector<1x1x16xf32>,
      %parallel_loop3A_358 = vector.shape_cast %parallel_loop3A_357 : vector<1x1x16xf32> to vector<16xf32>
      %parallel_loop3A_359 = arith.addf %parallel_loop3A_358, %parallel_loop3A_338 : vector<16xf32>
      %parallel_loop3A_360 = arith.constant 1 : i32
      %parallel_loop3A_361 = arith.index_cast %parallel_loop3A_360 : i32 to index
      %parallel_loop3A_362 = arith.index_cast %parallel_loop3A_330 : i32 to index
      %parallel_loop3A_363 = arith.index_cast %parallel_loop3A_334 : i32 to index
      %parallel_loop3A_364 = tpu.vector_load %arg9[%parallel_loop3A_361, %parallel_loop3A_362, %parallel_loop3A_363] {strides = array<i32>} : memref<4x8x1024xf32, #tpu.memory_space<vmem>>, vector<1x1x16xf32>,
      %parallel_loop3A_365 = vector.shape_cast %parallel_loop3A_364 : vector<1x1x16xf32> to vector<16xf32>
      %parallel_loop3A_366 = vector.shape_cast %parallel_loop3A_359 : vector<16xf32> to vector<1x1x16xf32>
      tpu.vector_store %arg9[%parallel_loop3A_361, %parallel_loop3A_362, %parallel_loop3A_363], %parallel_loop3A_366 {strides = array<i32>} : memref<4x8x1024xf32, #tpu.memory_space<vmem>>, vector<1x1x16xf32>,
      %parallel_loop3A_367 = arith.constant 2 : i32
      %parallel_loop3A_368 = arith.index_cast %parallel_loop3A_367 : i32 to index
      %parallel_loop3A_369 = arith.index_cast %parallel_loop3A_330 : i32 to index
      %parallel_loop3A_370 = arith.index_cast %parallel_loop3A_334 : i32 to index
      %parallel_loop3A_371 = tpu.vector_load %arg9[%parallel_loop3A_368, %parallel_loop3A_369, %parallel_loop3A_370] {strides = array<i32>} : memref<4x8x1024xf32, #tpu.memory_space<vmem>>, vector<1x1x16xf32>,
      %parallel_loop3A_372 = vector.shape_cast %parallel_loop3A_371 : vector<1x1x16xf32> to vector<16xf32>
      %parallel_loop3A_373 = arith.addf %parallel_loop3A_372, %parallel_loop3A_338 : vector<16xf32>
      %parallel_loop3A_374 = arith.constant 2 : i32
      %parallel_loop3A_375 = arith.index_cast %parallel_loop3A_374 : i32 to index
      %parallel_loop3A_376 = arith.index_cast %parallel_loop3A_330 : i32 to index
      %parallel_loop3A_377 = arith.index_cast %parallel_loop3A_334 : i32 to index
      %parallel_loop3A_378 = tpu.vector_load %arg9[%parallel_loop3A_375, %parallel_loop3A_376, %parallel_loop3A_377] {strides = array<i32>} : memref<4x8x1024xf32, #tpu.memory_space<vmem>>, vector<1x1x16xf32>,
      %parallel_loop3A_379 = vector.shape_cast %parallel_loop3A_378 : vector<1x1x16xf32> to vector<16xf32>
      %parallel_loop3A_380 = vector.shape_cast %parallel_loop3A_373 : vector<16xf32> to vector<1x1x16xf32>
      tpu.vector_store %arg9[%parallel_loop3A_375, %parallel_loop3A_376, %parallel_loop3A_377], %parallel_loop3A_380 {strides = array<i32>} : memref<4x8x1024xf32, #tpu.memory_space<vmem>>, vector<1x1x16xf32>,
      %parallel_loop3A_381 = arith.constant 3 : i32
      %parallel_loop3A_382 = arith.index_cast %parallel_loop3A_381 : i32 to index
      %parallel_loop3A_383 = arith.index_cast %parallel_loop3A_330 : i32 to index
      %parallel_loop3A_384 = arith.index_cast %parallel_loop3A_334 : i32 to index
      %parallel_loop3A_385 = tpu.vector_load %arg9[%parallel_loop3A_382, %parallel_loop3A_383, %parallel_loop3A_384] {strides = array<i32>} : memref<4x8x1024xf32, #tpu.memory_space<vmem>>, vector<1x1x16xf32>,
      %parallel_loop3A_386 = vector.shape_cast %parallel_loop3A_385 : vector<1x1x16xf32> to vector<16xf32>
      %parallel_loop3A_387 = arith.addf %parallel_loop3A_386, %parallel_loop3A_338 : vector<16xf32>
      %parallel_loop3A_388 = arith.constant 3 : i32
      %parallel_loop3A_389 = arith.index_cast %parallel_loop3A_388 : i32 to index
      %parallel_loop3A_390 = arith.index_cast %parallel_loop3A_330 : i32 to index
      %parallel_loop3A_391 = arith.index_cast %parallel_loop3A_334 : i32 to index
      %parallel_loop3A_392 = tpu.vector_load %arg9[%parallel_loop3A_389, %parallel_loop3A_390, %parallel_loop3A_391] {strides = array<i32>} : memref<4x8x1024xf32, #tpu.memory_space<vmem>>, vector<1x1x16xf32>,
      %parallel_loop3A_393 = vector.shape_cast %parallel_loop3A_392 : vector<1x1x16xf32> to vector<16xf32>
      %parallel_loop3A_394 = vector.shape_cast %parallel_loop3A_387 : vector<16xf32> to vector<1x1x16xf32>
      tpu.vector_store %arg9[%parallel_loop3A_389, %parallel_loop3A_390, %parallel_loop3A_391], %parallel_loop3A_394 {strides = array<i32>} : memref<4x8x1024xf32, #tpu.memory_space<vmem>>, vector<1x1x16xf32>,
    } {sc.loop_unroll_factor = 8 : i64, sc.parallel_access}
    %add3A_117 = arith.constant 32 : i32
    %add3A_118 = arith.addi %mul3A_2, %add3A_117 : i32
    %dma_start3A_119 = arith.constant 0 : i32
    %dma_start3A_120 = tpu.memref_slice %arg3[%add3A_118, %dma_start3A_119] : memref<2048x1024xf32, #tpu.memory_space<hbm>> -> memref<8x1024xf32, #tpu.memory_space<hbm>>
    %dma_start3A_121 = arith.constant 0 : i32
    %dma_start3A_122 = tpu.memref_slice %arg3[%add3A_118, %dma_start3A_121] : memref<2048x1024xf32, #tpu.memory_space<hbm>> -> memref<8x1024xf32, #tpu.memory_space<hbm>>
    tpu.enqueue_dma source(%dma_start3A_122 : memref<8x1024xf32, #tpu.memory_space<hbm>>) target(%arg5 : memref<8x1024xf32, #tpu.memory_space<vmem>>) target_semaphore(%arg10 : memref<!tpu.dma_semaphore, #tpu.memory_space<semaphore_mem>>)
    %add3A_123 = arith.constant 16 : i32
    %add3A_124 = arith.addi %mul3A_2, %add3A_123 : i32
    %dma_start3A_125 = arith.constant 0 : i32
    %dma_start3A_126 = arith.constant 0 : i32
    %dma_start3A_127 = tpu.memref_slice %arg4[%dma_start3A_125, %add3A_124, %dma_start3A_126] : memref<4x2048x1024xf32, #tpu.memory_space<hbm>> -> memref<4x8x1024xf32, #tpu.memory_space<hbm>>
    %dma_start3A_128 = arith.constant 0 : i32
    %dma_start3A_129 = arith.constant 0 : i32
    %dma_start3A_130 = tpu.memref_slice %arg4[%dma_start3A_128, %add3A_124, %dma_start3A_129] : memref<4x2048x1024xf32, #tpu.memory_space<hbm>> -> memref<4x8x1024xf32, #tpu.memory_space<hbm>>
    tpu.enqueue_dma source(%arg9 : memref<4x8x1024xf32, #tpu.memory_space<vmem>>) target(%dma_start3A_130 : memref<4x8x1024xf32, #tpu.memory_space<hbm>>) target_semaphore(%arg16 : memref<!tpu.dma_semaphore, #tpu.memory_space<semaphore_mem>>)
    %dma_wait3A_131 = arith.constant 0 : i32
    %dma_wait3A_132 = arith.constant 0 : i32
    %dma_wait3A_133 = tpu.memref_slice %arg4[%dma_wait3A_131, %add3A_83, %dma_wait3A_132] : memref<4x2048x1024xf32, #tpu.memory_space<hbm>> -> memref<4x8x1024xf32, #tpu.memory_space<hbm>>
    %dma_wait3A_134 = arith.constant 0 : i32
    %dma_wait3A_135 = arith.constant 0 : i32
    %dma_wait3A_136 = tpu.memref_slice %arg4[%dma_wait3A_134, %add3A_83, %dma_wait3A_135] : memref<4x2048x1024xf32, #tpu.memory_space<hbm>> -> memref<4x8x1024xf32, #tpu.memory_space<hbm>>
    tpu.wait_dma2 semaphore(%arg15 : memref<!tpu.dma_semaphore, #tpu.memory_space<semaphore_mem>>) src(%arg8 : memref<4x8x1024xf32, #tpu.memory_space<vmem>>) dst(%dma_wait3A_136 : memref<4x8x1024xf32, #tpu.memory_space<hbm>>)
    %add3A_137 = arith.constant 32 : i32
    %add3A_138 = arith.addi %mul3A_2, %add3A_137 : i32
    %dma_start3A_139 = arith.constant 0 : i32
    %dma_start3A_140 = arith.constant 0 : i32
    %dma_start3A_141 = tpu.memref_slice %arg2[%dma_start3A_139, %add3A_138, %dma_start3A_140] : memref<4x2048x1024xf32, #tpu.memory_space<hbm>> -> memref<4x8x1024xf32, #tpu.memory_space<hbm>>
    %dma_start3A_142 = arith.constant 0 : i32
    %dma_start3A_143 = arith.constant 0 : i32
    %dma_start3A_144 = tpu.memref_slice %arg2[%dma_start3A_142, %add3A_138, %dma_start3A_143] : memref<4x2048x1024xf32, #tpu.memory_space<hbm>> -> memref<4x8x1024xf32, #tpu.memory_space<hbm>>
    tpu.enqueue_dma source(%dma_start3A_144 : memref<4x8x1024xf32, #tpu.memory_space<hbm>>) target(%arg8 : memref<4x8x1024xf32, #tpu.memory_space<vmem>>) target_semaphore(%arg12 : memref<!tpu.dma_semaphore, #tpu.memory_space<semaphore_mem>>)
    %dma_wait3A_145 = arith.constant 0 : i32
    %dma_wait3A_146 = tpu.memref_slice %arg3[%add3A_77, %dma_wait3A_145] : memref<2048x1024xf32, #tpu.memory_space<hbm>> -> memref<8x1024xf32, #tpu.memory_space<hbm>>
    %dma_wait3A_147 = arith.constant 0 : i32
    %dma_wait3A_148 = tpu.memref_slice %arg3[%add3A_77, %dma_wait3A_147] : memref<2048x1024xf32, #tpu.memory_space<hbm>> -> memref<8x1024xf32, #tpu.memory_space<hbm>>
    tpu.wait_dma2 semaphore(%arg10 : memref<!tpu.dma_semaphore, #tpu.memory_space<semaphore_mem>>) src(%dma_wait3A_148 : memref<8x1024xf32, #tpu.memory_space<hbm>>) dst(%arg6 : memref<8x1024xf32, #tpu.memory_space<vmem>>)
    %dma_wait3A_149 = arith.constant 0 : i32
    %dma_wait3A_150 = arith.constant 0 : i32
    %dma_wait3A_151 = tpu.memref_slice %arg2[%dma_wait3A_149, %add3A_97, %dma_wait3A_150] : memref<4x2048x1024xf32, #tpu.memory_space<hbm>> -> memref<4x8x1024xf32, #tpu.memory_space<hbm>>
    %dma_wait3A_152 = arith.constant 0 : i32
    %dma_wait3A_153 = arith.constant 0 : i32
    %dma_wait3A_154 = tpu.memref_slice %arg2[%dma_wait3A_152, %add3A_97, %dma_wait3A_153] : memref<4x2048x1024xf32, #tpu.memory_space<hbm>> -> memref<4x8x1024xf32, #tpu.memory_space<hbm>>
    tpu.wait_dma2 semaphore(%arg11 : memref<!tpu.dma_semaphore, #tpu.memory_space<semaphore_mem>>) src(%dma_wait3A_154 : memref<4x8x1024xf32, #tpu.memory_space<hbm>>) dst(%arg7 : memref<4x8x1024xf32, #tpu.memory_space<vmem>>)
    %parallel_loop3A_155 = arith.constant 0 : i32
    %parallel_loop3A_156 = arith.constant 512 : i32
    %parallel_loop3A_157 = arith.constant 1 : i32
    scf.for %parallel_loop3A_328 = %parallel_loop3A_155 to %parallel_loop3A_156 step %parallel_loop3A_157  : i32 {
      %parallel_loop3A_329 = arith.constant 6 : i32
      %parallel_loop3A_330 = arith.shrsi %parallel_loop3A_328, %parallel_loop3A_329 : i32
      %parallel_loop3A_331 = arith.constant 63 : i32
      %parallel_loop3A_332 = arith.andi %parallel_loop3A_328, %parallel_loop3A_331 : i32
      %parallel_loop3A_333 = arith.constant 16 : i32
      %parallel_loop3A_334 = arith.muli %parallel_loop3A_332, %parallel_loop3A_333 : i32
      %parallel_loop3A_335 = arith.index_cast %parallel_loop3A_330 : i32 to index
      %parallel_loop3A_336 = arith.index_cast %parallel_loop3A_334 : i32 to index
      %parallel_loop3A_337 = tpu.vector_load %arg6[%parallel_loop3A_335, %parallel_loop3A_336] {strides = array<i32>} : memref<8x1024xf32, #tpu.memory_space<vmem>>, vector<1x16xf32>,
      %parallel_loop3A_338 = vector.shape_cast %parallel_loop3A_337 : vector<1x16xf32> to vector<16xf32>
      %parallel_loop3A_339 = arith.constant 0 : i32
      %parallel_loop3A_340 = arith.index_cast %parallel_loop3A_339 : i32 to index
      %parallel_loop3A_341 = arith.index_cast %parallel_loop3A_330 : i32 to index
      %parallel_loop3A_342 = arith.index_cast %parallel_loop3A_334 : i32 to index
      %parallel_loop3A_343 = tpu.vector_load %arg7[%parallel_loop3A_340, %parallel_loop3A_341, %parallel_loop3A_342] {strides = array<i32>} : memref<4x8x1024xf32, #tpu.memory_space<vmem>>, vector<1x1x16xf32>,
      %parallel_loop3A_344 = vector.shape_cast %parallel_loop3A_343 : vector<1x1x16xf32> to vector<16xf32>
      %parallel_loop3A_345 = arith.addf %parallel_loop3A_344, %parallel_loop3A_338 : vector<16xf32>
      %parallel_loop3A_346 = arith.constant 0 : i32
      %parallel_loop3A_347 = arith.index_cast %parallel_loop3A_346 : i32 to index
      %parallel_loop3A_348 = arith.index_cast %parallel_loop3A_330 : i32 to index
      %parallel_loop3A_349 = arith.index_cast %parallel_loop3A_334 : i32 to index
      %parallel_loop3A_350 = tpu.vector_load %arg7[%parallel_loop3A_347, %parallel_loop3A_348, %parallel_loop3A_349] {strides = array<i32>} : memref<4x8x1024xf32, #tpu.memory_space<vmem>>, vector<1x1x16xf32>,
      %parallel_loop3A_351 = vector.shape_cast %parallel_loop3A_350 : vector<1x1x16xf32> to vector<16xf32>
      %parallel_loop3A_352 = vector.shape_cast %parallel_loop3A_345 : vector<16xf32> to vector<1x1x16xf32>
      tpu.vector_store %arg7[%parallel_loop3A_347, %parallel_loop3A_348, %parallel_loop3A_349], %parallel_loop3A_352 {strides = array<i32>} : memref<4x8x1024xf32, #tpu.memory_space<vmem>>, vector<1x1x16xf32>,
      %parallel_loop3A_353 = arith.constant 1 : i32
      %parallel_loop3A_354 = arith.index_cast %parallel_loop3A_353 : i32 to index
      %parallel_loop3A_355 = arith.index_cast %parallel_loop3A_330 : i32 to index
      %parallel_loop3A_356 = arith.index_cast %parallel_loop3A_334 : i32 to index
      %parallel_loop3A_357 = tpu.vector_load %arg7[%parallel_loop3A_354, %parallel_loop3A_355, %parallel_loop3A_356] {strides = array<i32>} : memref<4x8x1024xf32, #tpu.memory_space<vmem>>, vector<1x1x16xf32>,
      %parallel_loop3A_358 = vector.shape_cast %parallel_loop3A_357 : vector<1x1x16xf32> to vector<16xf32>
      %parallel_loop3A_359 = arith.addf %parallel_loop3A_358, %parallel_loop3A_338 : vector<16xf32>
      %parallel_loop3A_360 = arith.constant 1 : i32
      %parallel_loop3A_361 = arith.index_cast %parallel_loop3A_360 : i32 to index
      %parallel_loop3A_362 = arith.index_cast %parallel_loop3A_330 : i32 to index
      %parallel_loop3A_363 = arith.index_cast %parallel_loop3A_334 : i32 to index
      %parallel_loop3A_364 = tpu.vector_load %arg7[%parallel_loop3A_361, %parallel_loop3A_362, %parallel_loop3A_363] {strides = array<i32>} : memref<4x8x1024xf32, #tpu.memory_space<vmem>>, vector<1x1x16xf32>,
      %parallel_loop3A_365 = vector.shape_cast %parallel_loop3A_364 : vector<1x1x16xf32> to vector<16xf32>
      %parallel_loop3A_366 = vector.shape_cast %parallel_loop3A_359 : vector<16xf32> to vector<1x1x16xf32>
      tpu.vector_store %arg7[%parallel_loop3A_361, %parallel_loop3A_362, %parallel_loop3A_363], %parallel_loop3A_366 {strides = array<i32>} : memref<4x8x1024xf32, #tpu.memory_space<vmem>>, vector<1x1x16xf32>,
      %parallel_loop3A_367 = arith.constant 2 : i32
      %parallel_loop3A_368 = arith.index_cast %parallel_loop3A_367 : i32 to index
      %parallel_loop3A_369 = arith.index_cast %parallel_loop3A_330 : i32 to index
      %parallel_loop3A_370 = arith.index_cast %parallel_loop3A_334 : i32 to index
      %parallel_loop3A_371 = tpu.vector_load %arg7[%parallel_loop3A_368, %parallel_loop3A_369, %parallel_loop3A_370] {strides = array<i32>} : memref<4x8x1024xf32, #tpu.memory_space<vmem>>, vector<1x1x16xf32>,
      %parallel_loop3A_372 = vector.shape_cast %parallel_loop3A_371 : vector<1x1x16xf32> to vector<16xf32>
      %parallel_loop3A_373 = arith.addf %parallel_loop3A_372, %parallel_loop3A_338 : vector<16xf32>
      %parallel_loop3A_374 = arith.constant 2 : i32
      %parallel_loop3A_375 = arith.index_cast %parallel_loop3A_374 : i32 to index
      %parallel_loop3A_376 = arith.index_cast %parallel_loop3A_330 : i32 to index
      %parallel_loop3A_377 = arith.index_cast %parallel_loop3A_334 : i32 to index
      %parallel_loop3A_378 = tpu.vector_load %arg7[%parallel_loop3A_375, %parallel_loop3A_376, %parallel_loop3A_377] {strides = array<i32>} : memref<4x8x1024xf32, #tpu.memory_space<vmem>>, vector<1x1x16xf32>,
      %parallel_loop3A_379 = vector.shape_cast %parallel_loop3A_378 : vector<1x1x16xf32> to vector<16xf32>
      %parallel_loop3A_380 = vector.shape_cast %parallel_loop3A_373 : vector<16xf32> to vector<1x1x16xf32>
      tpu.vector_store %arg7[%parallel_loop3A_375, %parallel_loop3A_376, %parallel_loop3A_377], %parallel_loop3A_380 {strides = array<i32>} : memref<4x8x1024xf32, #tpu.memory_space<vmem>>, vector<1x1x16xf32>,
      %parallel_loop3A_381 = arith.constant 3 : i32
      %parallel_loop3A_382 = arith.index_cast %parallel_loop3A_381 : i32 to index
      %parallel_loop3A_383 = arith.index_cast %parallel_loop3A_330 : i32 to index
      %parallel_loop3A_384 = arith.index_cast %parallel_loop3A_334 : i32 to index
      %parallel_loop3A_385 = tpu.vector_load %arg7[%parallel_loop3A_382, %parallel_loop3A_383, %parallel_loop3A_384] {strides = array<i32>} : memref<4x8x1024xf32, #tpu.memory_space<vmem>>, vector<1x1x16xf32>,
      %parallel_loop3A_386 = vector.shape_cast %parallel_loop3A_385 : vector<1x1x16xf32> to vector<16xf32>
      %parallel_loop3A_387 = arith.addf %parallel_loop3A_386, %parallel_loop3A_338 : vector<16xf32>
      %parallel_loop3A_388 = arith.constant 3 : i32
      %parallel_loop3A_389 = arith.index_cast %parallel_loop3A_388 : i32 to index
      %parallel_loop3A_390 = arith.index_cast %parallel_loop3A_330 : i32 to index
      %parallel_loop3A_391 = arith.index_cast %parallel_loop3A_334 : i32 to index
      %parallel_loop3A_392 = tpu.vector_load %arg7[%parallel_loop3A_389, %parallel_loop3A_390, %parallel_loop3A_391] {strides = array<i32>} : memref<4x8x1024xf32, #tpu.memory_space<vmem>>, vector<1x1x16xf32>,
      %parallel_loop3A_393 = vector.shape_cast %parallel_loop3A_392 : vector<1x1x16xf32> to vector<16xf32>
      %parallel_loop3A_394 = vector.shape_cast %parallel_loop3A_387 : vector<16xf32> to vector<1x1x16xf32>
      tpu.vector_store %arg7[%parallel_loop3A_389, %parallel_loop3A_390, %parallel_loop3A_391], %parallel_loop3A_394 {strides = array<i32>} : memref<4x8x1024xf32, #tpu.memory_space<vmem>>, vector<1x1x16xf32>,
    } {sc.loop_unroll_factor = 8 : i64, sc.parallel_access}
    %add3A_158 = arith.constant 40 : i32
    %add3A_159 = arith.addi %mul3A_2, %add3A_158 : i32
    %dma_start3A_160 = arith.constant 0 : i32
    %dma_start3A_161 = tpu.memref_slice %arg3[%add3A_159, %dma_start3A_160] : memref<2048x1024xf32, #tpu.memory_space<hbm>> -> memref<8x1024xf32, #tpu.memory_space<hbm>>
    %dma_start3A_162 = arith.constant 0 : i32
    %dma_start3A_163 = tpu.memref_slice %arg3[%add3A_159, %dma_start3A_162] : memref<2048x1024xf32, #tpu.memory_space<hbm>> -> memref<8x1024xf32, #tpu.memory_space<hbm>>
    tpu.enqueue_dma source(%dma_start3A_163 : memref<8x1024xf32, #tpu.memory_space<hbm>>) target(%arg6 : memref<8x1024xf32, #tpu.memory_space<vmem>>) target_semaphore(%arg10 : memref<!tpu.dma_semaphore, #tpu.memory_space<semaphore_mem>>)
    %add3A_164 = arith.constant 24 : i32
    %add3A_165 = arith.addi %mul3A_2, %add3A_164 : i32
    %dma_start3A_166 = arith.constant 0 : i32
    %dma_start3A_167 = arith.constant 0 : i32
    %dma_start3A_168 = tpu.memref_slice %arg4[%dma_start3A_166, %add3A_165, %dma_start3A_167] : memref<4x2048x1024xf32, #tpu.memory_space<hbm>> -> memref<4x8x1024xf32, #tpu.memory_space<hbm>>
    %dma_start3A_169 = arith.constant 0 : i32
    %dma_start3A_170 = arith.constant 0 : i32
    %dma_start3A_171 = tpu.memref_slice %arg4[%dma_start3A_169, %add3A_165, %dma_start3A_170] : memref<4x2048x1024xf32, #tpu.memory_space<hbm>> -> memref<4x8x1024xf32, #tpu.memory_space<hbm>>
    tpu.enqueue_dma source(%arg7 : memref<4x8x1024xf32, #tpu.memory_space<vmem>>) target(%dma_start3A_171 : memref<4x8x1024xf32, #tpu.memory_space<hbm>>) target_semaphore(%arg14 : memref<!tpu.dma_semaphore, #tpu.memory_space<semaphore_mem>>)
    %dma_wait3A_172 = arith.constant 0 : i32
    %dma_wait3A_173 = arith.constant 0 : i32
    %dma_wait3A_174 = tpu.memref_slice %arg4[%dma_wait3A_172, %add3A_124, %dma_wait3A_173] : memref<4x2048x1024xf32, #tpu.memory_space<hbm>> -> memref<4x8x1024xf32, #tpu.memory_space<hbm>>
    %dma_wait3A_175 = arith.constant 0 : i32
    %dma_wait3A_176 = arith.constant 0 : i32
    %dma_wait3A_177 = tpu.memref_slice %arg4[%dma_wait3A_175, %add3A_124, %dma_wait3A_176] : memref<4x2048x1024xf32, #tpu.memory_space<hbm>> -> memref<4x8x1024xf32, #tpu.memory_space<hbm>>
    tpu.wait_dma2 semaphore(%arg16 : memref<!tpu.dma_semaphore, #tpu.memory_space<semaphore_mem>>) src(%arg9 : memref<4x8x1024xf32, #tpu.memory_space<vmem>>) dst(%dma_wait3A_177 : memref<4x8x1024xf32, #tpu.memory_space<hbm>>)
    %add3A_178 = arith.constant 40 : i32
    %add3A_179 = arith.addi %mul3A_2, %add3A_178 : i32
    %dma_start3A_180 = arith.constant 0 : i32
    %dma_start3A_181 = arith.constant 0 : i32
    %dma_start3A_182 = tpu.memref_slice %arg2[%dma_start3A_180, %add3A_179, %dma_start3A_181] : memref<4x2048x1024xf32, #tpu.memory_space<hbm>> -> memref<4x8x1024xf32, #tpu.memory_space<hbm>>
    %dma_start3A_183 = arith.constant 0 : i32
    %dma_start3A_184 = arith.constant 0 : i32
    %dma_start3A_185 = tpu.memref_slice %arg2[%dma_start3A_183, %add3A_179, %dma_start3A_184] : memref<4x2048x1024xf32, #tpu.memory_space<hbm>> -> memref<4x8x1024xf32, #tpu.memory_space<hbm>>
    tpu.enqueue_dma source(%dma_start3A_185 : memref<4x8x1024xf32, #tpu.memory_space<hbm>>) target(%arg9 : memref<4x8x1024xf32, #tpu.memory_space<vmem>>) target_semaphore(%arg13 : memref<!tpu.dma_semaphore, #tpu.memory_space<semaphore_mem>>)
    %dma_wait3A_186 = arith.constant 0 : i32
    %dma_wait3A_187 = tpu.memref_slice %arg3[%add3A_118, %dma_wait3A_186] : memref<2048x1024xf32, #tpu.memory_space<hbm>> -> memref<8x1024xf32, #tpu.memory_space<hbm>>
    %dma_wait3A_188 = arith.constant 0 : i32
    %dma_wait3A_189 = tpu.memref_slice %arg3[%add3A_118, %dma_wait3A_188] : memref<2048x1024xf32, #tpu.memory_space<hbm>> -> memref<8x1024xf32, #tpu.memory_space<hbm>>
    tpu.wait_dma2 semaphore(%arg10 : memref<!tpu.dma_semaphore, #tpu.memory_space<semaphore_mem>>) src(%dma_wait3A_189 : memref<8x1024xf32, #tpu.memory_space<hbm>>) dst(%arg5 : memref<8x1024xf32, #tpu.memory_space<vmem>>)
    %dma_wait3A_190 = arith.constant 0 : i32
    %dma_wait3A_191 = arith.constant 0 : i32
    %dma_wait3A_192 = tpu.memref_slice %arg2[%dma_wait3A_190, %add3A_138, %dma_wait3A_191] : memref<4x2048x1024xf32, #tpu.memory_space<hbm>> -> memref<4x8x1024xf32, #tpu.memory_space<hbm>>
    %dma_wait3A_193 = arith.constant 0 : i32
    %dma_wait3A_194 = arith.constant 0 : i32
    %dma_wait3A_195 = tpu.memref_slice %arg2[%dma_wait3A_193, %add3A_138, %dma_wait3A_194] : memref<4x2048x1024xf32, #tpu.memory_space<hbm>> -> memref<4x8x1024xf32, #tpu.memory_space<hbm>>
    tpu.wait_dma2 semaphore(%arg12 : memref<!tpu.dma_semaphore, #tpu.memory_space<semaphore_mem>>) src(%dma_wait3A_195 : memref<4x8x1024xf32, #tpu.memory_space<hbm>>) dst(%arg8 : memref<4x8x1024xf32, #tpu.memory_space<vmem>>)
    %parallel_loop3A_196 = arith.constant 0 : i32
    %parallel_loop3A_197 = arith.constant 512 : i32
    %parallel_loop3A_198 = arith.constant 1 : i32
    scf.for %parallel_loop3A_328 = %parallel_loop3A_196 to %parallel_loop3A_197 step %parallel_loop3A_198  : i32 {
      %parallel_loop3A_329 = arith.constant 6 : i32
      %parallel_loop3A_330 = arith.shrsi %parallel_loop3A_328, %parallel_loop3A_329 : i32
      %parallel_loop3A_331 = arith.constant 63 : i32
      %parallel_loop3A_332 = arith.andi %parallel_loop3A_328, %parallel_loop3A_331 : i32
      %parallel_loop3A_333 = arith.constant 16 : i32
      %parallel_loop3A_334 = arith.muli %parallel_loop3A_332, %parallel_loop3A_333 : i32
      %parallel_loop3A_335 = arith.index_cast %parallel_loop3A_330 : i32 to index
      %parallel_loop3A_336 = arith.index_cast %parallel_loop3A_334 : i32 to index
      %parallel_loop3A_337 = tpu.vector_load %arg5[%parallel_loop3A_335, %parallel_loop3A_336] {strides = array<i32>} : memref<8x1024xf32, #tpu.memory_space<vmem>>, vector<1x16xf32>,
      %parallel_loop3A_338 = vector.shape_cast %parallel_loop3A_337 : vector<1x16xf32> to vector<16xf32>
      %parallel_loop3A_339 = arith.constant 0 : i32
      %parallel_loop3A_340 = arith.index_cast %parallel_loop3A_339 : i32 to index
      %parallel_loop3A_341 = arith.index_cast %parallel_loop3A_330 : i32 to index
      %parallel_loop3A_342 = arith.index_cast %parallel_loop3A_334 : i32 to index
      %parallel_loop3A_343 = tpu.vector_load %arg8[%parallel_loop3A_340, %parallel_loop3A_341, %parallel_loop3A_342] {strides = array<i32>} : memref<4x8x1024xf32, #tpu.memory_space<vmem>>, vector<1x1x16xf32>,
      %parallel_loop3A_344 = vector.shape_cast %parallel_loop3A_343 : vector<1x1x16xf32> to vector<16xf32>
      %parallel_loop3A_345 = arith.addf %parallel_loop3A_344, %parallel_loop3A_338 : vector<16xf32>
      %parallel_loop3A_346 = arith.constant 0 : i32
      %parallel_loop3A_347 = arith.index_cast %parallel_loop3A_346 : i32 to index
      %parallel_loop3A_348 = arith.index_cast %parallel_loop3A_330 : i32 to index
      %parallel_loop3A_349 = arith.index_cast %parallel_loop3A_334 : i32 to index
      %parallel_loop3A_350 = tpu.vector_load %arg8[%parallel_loop3A_347, %parallel_loop3A_348, %parallel_loop3A_349] {strides = array<i32>} : memref<4x8x1024xf32, #tpu.memory_space<vmem>>, vector<1x1x16xf32>,
      %parallel_loop3A_351 = vector.shape_cast %parallel_loop3A_350 : vector<1x1x16xf32> to vector<16xf32>
      %parallel_loop3A_352 = vector.shape_cast %parallel_loop3A_345 : vector<16xf32> to vector<1x1x16xf32>
      tpu.vector_store %arg8[%parallel_loop3A_347, %parallel_loop3A_348, %parallel_loop3A_349], %parallel_loop3A_352 {strides = array<i32>} : memref<4x8x1024xf32, #tpu.memory_space<vmem>>, vector<1x1x16xf32>,
      %parallel_loop3A_353 = arith.constant 1 : i32
      %parallel_loop3A_354 = arith.index_cast %parallel_loop3A_353 : i32 to index
      %parallel_loop3A_355 = arith.index_cast %parallel_loop3A_330 : i32 to index
      %parallel_loop3A_356 = arith.index_cast %parallel_loop3A_334 : i32 to index
      %parallel_loop3A_357 = tpu.vector_load %arg8[%parallel_loop3A_354, %parallel_loop3A_355, %parallel_loop3A_356] {strides = array<i32>} : memref<4x8x1024xf32, #tpu.memory_space<vmem>>, vector<1x1x16xf32>,
      %parallel_loop3A_358 = vector.shape_cast %parallel_loop3A_357 : vector<1x1x16xf32> to vector<16xf32>
      %parallel_loop3A_359 = arith.addf %parallel_loop3A_358, %parallel_loop3A_338 : vector<16xf32>
      %parallel_loop3A_360 = arith.constant 1 : i32
      %parallel_loop3A_361 = arith.index_cast %parallel_loop3A_360 : i32 to index
      %parallel_loop3A_362 = arith.index_cast %parallel_loop3A_330 : i32 to index
      %parallel_loop3A_363 = arith.index_cast %parallel_loop3A_334 : i32 to index
      %parallel_loop3A_364 = tpu.vector_load %arg8[%parallel_loop3A_361, %parallel_loop3A_362, %parallel_loop3A_363] {strides = array<i32>} : memref<4x8x1024xf32, #tpu.memory_space<vmem>>, vector<1x1x16xf32>,
      %parallel_loop3A_365 = vector.shape_cast %parallel_loop3A_364 : vector<1x1x16xf32> to vector<16xf32>
      %parallel_loop3A_366 = vector.shape_cast %parallel_loop3A_359 : vector<16xf32> to vector<1x1x16xf32>
      tpu.vector_store %arg8[%parallel_loop3A_361, %parallel_loop3A_362, %parallel_loop3A_363], %parallel_loop3A_366 {strides = array<i32>} : memref<4x8x1024xf32, #tpu.memory_space<vmem>>, vector<1x1x16xf32>,
      %parallel_loop3A_367 = arith.constant 2 : i32
      %parallel_loop3A_368 = arith.index_cast %parallel_loop3A_367 : i32 to index
      %parallel_loop3A_369 = arith.index_cast %parallel_loop3A_330 : i32 to index
      %parallel_loop3A_370 = arith.index_cast %parallel_loop3A_334 : i32 to index
      %parallel_loop3A_371 = tpu.vector_load %arg8[%parallel_loop3A_368, %parallel_loop3A_369, %parallel_loop3A_370] {strides = array<i32>} : memref<4x8x1024xf32, #tpu.memory_space<vmem>>, vector<1x1x16xf32>,
      %parallel_loop3A_372 = vector.shape_cast %parallel_loop3A_371 : vector<1x1x16xf32> to vector<16xf32>
      %parallel_loop3A_373 = arith.addf %parallel_loop3A_372, %parallel_loop3A_338 : vector<16xf32>
      %parallel_loop3A_374 = arith.constant 2 : i32
      %parallel_loop3A_375 = arith.index_cast %parallel_loop3A_374 : i32 to index
      %parallel_loop3A_376 = arith.index_cast %parallel_loop3A_330 : i32 to index
      %parallel_loop3A_377 = arith.index_cast %parallel_loop3A_334 : i32 to index
      %parallel_loop3A_378 = tpu.vector_load %arg8[%parallel_loop3A_375, %parallel_loop3A_376, %parallel_loop3A_377] {strides = array<i32>} : memref<4x8x1024xf32, #tpu.memory_space<vmem>>, vector<1x1x16xf32>,
      %parallel_loop3A_379 = vector.shape_cast %parallel_loop3A_378 : vector<1x1x16xf32> to vector<16xf32>
      %parallel_loop3A_380 = vector.shape_cast %parallel_loop3A_373 : vector<16xf32> to vector<1x1x16xf32>
      tpu.vector_store %arg8[%parallel_loop3A_375, %parallel_loop3A_376, %parallel_loop3A_377], %parallel_loop3A_380 {strides = array<i32>} : memref<4x8x1024xf32, #tpu.memory_space<vmem>>, vector<1x1x16xf32>,
      %parallel_loop3A_381 = arith.constant 3 : i32
      %parallel_loop3A_382 = arith.index_cast %parallel_loop3A_381 : i32 to index
      %parallel_loop3A_383 = arith.index_cast %parallel_loop3A_330 : i32 to index
      %parallel_loop3A_384 = arith.index_cast %parallel_loop3A_334 : i32 to index
      %parallel_loop3A_385 = tpu.vector_load %arg8[%parallel_loop3A_382, %parallel_loop3A_383, %parallel_loop3A_384] {strides = array<i32>} : memref<4x8x1024xf32, #tpu.memory_space<vmem>>, vector<1x1x16xf32>,
      %parallel_loop3A_386 = vector.shape_cast %parallel_loop3A_385 : vector<1x1x16xf32> to vector<16xf32>
      %parallel_loop3A_387 = arith.addf %parallel_loop3A_386, %parallel_loop3A_338 : vector<16xf32>
      %parallel_loop3A_388 = arith.constant 3 : i32
      %parallel_loop3A_389 = arith.index_cast %parallel_loop3A_388 : i32 to index
      %parallel_loop3A_390 = arith.index_cast %parallel_loop3A_330 : i32 to index
      %parallel_loop3A_391 = arith.index_cast %parallel_loop3A_334 : i32 to index
      %parallel_loop3A_392 = tpu.vector_load %arg8[%parallel_loop3A_389, %parallel_loop3A_390, %parallel_loop3A_391] {strides = array<i32>} : memref<4x8x1024xf32, #tpu.memory_space<vmem>>, vector<1x1x16xf32>,
      %parallel_loop3A_393 = vector.shape_cast %parallel_loop3A_392 : vector<1x1x16xf32> to vector<16xf32>
      %parallel_loop3A_394 = vector.shape_cast %parallel_loop3A_387 : vector<16xf32> to vector<1x1x16xf32>
      tpu.vector_store %arg8[%parallel_loop3A_389, %parallel_loop3A_390, %parallel_loop3A_391], %parallel_loop3A_394 {strides = array<i32>} : memref<4x8x1024xf32, #tpu.memory_space<vmem>>, vector<1x1x16xf32>,
    } {sc.loop_unroll_factor = 8 : i64, sc.parallel_access}
    %add3A_199 = arith.constant 48 : i32
    %add3A_200 = arith.addi %mul3A_2, %add3A_199 : i32
    %dma_start3A_201 = arith.constant 0 : i32
    %dma_start3A_202 = tpu.memref_slice %arg3[%add3A_200, %dma_start3A_201] : memref<2048x1024xf32, #tpu.memory_space<hbm>> -> memref<8x1024xf32, #tpu.memory_space<hbm>>
    %dma_start3A_203 = arith.constant 0 : i32
    %dma_start3A_204 = tpu.memref_slice %arg3[%add3A_200, %dma_start3A_203] : memref<2048x1024xf32, #tpu.memory_space<hbm>> -> memref<8x1024xf32, #tpu.memory_space<hbm>>
    tpu.enqueue_dma source(%dma_start3A_204 : memref<8x1024xf32, #tpu.memory_space<hbm>>) target(%arg5 : memref<8x1024xf32, #tpu.memory_space<vmem>>) target_semaphore(%arg10 : memref<!tpu.dma_semaphore, #tpu.memory_space<semaphore_mem>>)
    %add3A_205 = arith.constant 32 : i32
    %add3A_206 = arith.addi %mul3A_2, %add3A_205 : i32
    %dma_start3A_207 = arith.constant 0 : i32
    %dma_start3A_208 = arith.constant 0 : i32
    %dma_start3A_209 = tpu.memref_slice %arg4[%dma_start3A_207, %add3A_206, %dma_start3A_208] : memref<4x2048x1024xf32, #tpu.memory_space<hbm>> -> memref<4x8x1024xf32, #tpu.memory_space<hbm>>
    %dma_start3A_210 = arith.constant 0 : i32
    %dma_start3A_211 = arith.constant 0 : i32
    %dma_start3A_212 = tpu.memref_slice %arg4[%dma_start3A_210, %add3A_206, %dma_start3A_211] : memref<4x2048x1024xf32, #tpu.memory_space<hbm>> -> memref<4x8x1024xf32, #tpu.memory_space<hbm>>
    tpu.enqueue_dma source(%arg8 : memref<4x8x1024xf32, #tpu.memory_space<vmem>>) target(%dma_start3A_212 : memref<4x8x1024xf32, #tpu.memory_space<hbm>>) target_semaphore(%arg15 : memref<!tpu.dma_semaphore, #tpu.memory_space<semaphore_mem>>)
    %dma_wait3A_213 = arith.constant 0 : i32
    %dma_wait3A_214 = arith.constant 0 : i32
    %dma_wait3A_215 = tpu.memref_slice %arg4[%dma_wait3A_213, %add3A_165, %dma_wait3A_214] : memref<4x2048x1024xf32, #tpu.memory_space<hbm>> -> memref<4x8x1024xf32, #tpu.memory_space<hbm>>
    %dma_wait3A_216 = arith.constant 0 : i32
    %dma_wait3A_217 = arith.constant 0 : i32
    %dma_wait3A_218 = tpu.memref_slice %arg4[%dma_wait3A_216, %add3A_165, %dma_wait3A_217] : memref<4x2048x1024xf32, #tpu.memory_space<hbm>> -> memref<4x8x1024xf32, #tpu.memory_space<hbm>>
    tpu.wait_dma2 semaphore(%arg14 : memref<!tpu.dma_semaphore, #tpu.memory_space<semaphore_mem>>) src(%arg7 : memref<4x8x1024xf32, #tpu.memory_space<vmem>>) dst(%dma_wait3A_218 : memref<4x8x1024xf32, #tpu.memory_space<hbm>>)
    %add3A_219 = arith.constant 48 : i32
    %add3A_220 = arith.addi %mul3A_2, %add3A_219 : i32
    %dma_start3A_221 = arith.constant 0 : i32
    %dma_start3A_222 = arith.constant 0 : i32
    %dma_start3A_223 = tpu.memref_slice %arg2[%dma_start3A_221, %add3A_220, %dma_start3A_222] : memref<4x2048x1024xf32, #tpu.memory_space<hbm>> -> memref<4x8x1024xf32, #tpu.memory_space<hbm>>
    %dma_start3A_224 = arith.constant 0 : i32
    %dma_start3A_225 = arith.constant 0 : i32
    %dma_start3A_226 = tpu.memref_slice %arg2[%dma_start3A_224, %add3A_220, %dma_start3A_225] : memref<4x2048x1024xf32, #tpu.memory_space<hbm>> -> memref<4x8x1024xf32, #tpu.memory_space<hbm>>
    tpu.enqueue_dma source(%dma_start3A_226 : memref<4x8x1024xf32, #tpu.memory_space<hbm>>) target(%arg7 : memref<4x8x1024xf32, #tpu.memory_space<vmem>>) target_semaphore(%arg11 : memref<!tpu.dma_semaphore, #tpu.memory_space<semaphore_mem>>)
    %dma_wait3A_227 = arith.constant 0 : i32
    %dma_wait3A_228 = tpu.memref_slice %arg3[%add3A_159, %dma_wait3A_227] : memref<2048x1024xf32, #tpu.memory_space<hbm>> -> memref<8x1024xf32, #tpu.memory_space<hbm>>
    %dma_wait3A_229 = arith.constant 0 : i32
    %dma_wait3A_230 = tpu.memref_slice %arg3[%add3A_159, %dma_wait3A_229] : memref<2048x1024xf32, #tpu.memory_space<hbm>> -> memref<8x1024xf32, #tpu.memory_space<hbm>>
    tpu.wait_dma2 semaphore(%arg10 : memref<!tpu.dma_semaphore, #tpu.memory_space<semaphore_mem>>) src(%dma_wait3A_230 : memref<8x1024xf32, #tpu.memory_space<hbm>>) dst(%arg6 : memref<8x1024xf32, #tpu.memory_space<vmem>>)
    %dma_wait3A_231 = arith.constant 0 : i32
    %dma_wait3A_232 = arith.constant 0 : i32
    %dma_wait3A_233 = tpu.memref_slice %arg2[%dma_wait3A_231, %add3A_179, %dma_wait3A_232] : memref<4x2048x1024xf32, #tpu.memory_space<hbm>> -> memref<4x8x1024xf32, #tpu.memory_space<hbm>>
    %dma_wait3A_234 = arith.constant 0 : i32
    %dma_wait3A_235 = arith.constant 0 : i32
    %dma_wait3A_236 = tpu.memref_slice %arg2[%dma_wait3A_234, %add3A_179, %dma_wait3A_235] : memref<4x2048x1024xf32, #tpu.memory_space<hbm>> -> memref<4x8x1024xf32, #tpu.memory_space<hbm>>
    tpu.wait_dma2 semaphore(%arg13 : memref<!tpu.dma_semaphore, #tpu.memory_space<semaphore_mem>>) src(%dma_wait3A_236 : memref<4x8x1024xf32, #tpu.memory_space<hbm>>) dst(%arg9 : memref<4x8x1024xf32, #tpu.memory_space<vmem>>)
    %parallel_loop3A_237 = arith.constant 0 : i32
    %parallel_loop3A_238 = arith.constant 512 : i32
    %parallel_loop3A_239 = arith.constant 1 : i32
    scf.for %parallel_loop3A_328 = %parallel_loop3A_237 to %parallel_loop3A_238 step %parallel_loop3A_239  : i32 {
      %parallel_loop3A_329 = arith.constant 6 : i32
      %parallel_loop3A_330 = arith.shrsi %parallel_loop3A_328, %parallel_loop3A_329 : i32
      %parallel_loop3A_331 = arith.constant 63 : i32
      %parallel_loop3A_332 = arith.andi %parallel_loop3A_328, %parallel_loop3A_331 : i32
      %parallel_loop3A_333 = arith.constant 16 : i32
      %parallel_loop3A_334 = arith.muli %parallel_loop3A_332, %parallel_loop3A_333 : i32
      %parallel_loop3A_335 = arith.index_cast %parallel_loop3A_330 : i32 to index
      %parallel_loop3A_336 = arith.index_cast %parallel_loop3A_334 : i32 to index
      %parallel_loop3A_337 = tpu.vector_load %arg6[%parallel_loop3A_335, %parallel_loop3A_336] {strides = array<i32>} : memref<8x1024xf32, #tpu.memory_space<vmem>>, vector<1x16xf32>,
      %parallel_loop3A_338 = vector.shape_cast %parallel_loop3A_337 : vector<1x16xf32> to vector<16xf32>
      %parallel_loop3A_339 = arith.constant 0 : i32
      %parallel_loop3A_340 = arith.index_cast %parallel_loop3A_339 : i32 to index
      %parallel_loop3A_341 = arith.index_cast %parallel_loop3A_330 : i32 to index
      %parallel_loop3A_342 = arith.index_cast %parallel_loop3A_334 : i32 to index
      %parallel_loop3A_343 = tpu.vector_load %arg9[%parallel_loop3A_340, %parallel_loop3A_341, %parallel_loop3A_342] {strides = array<i32>} : memref<4x8x1024xf32, #tpu.memory_space<vmem>>, vector<1x1x16xf32>,
      %parallel_loop3A_344 = vector.shape_cast %parallel_loop3A_343 : vector<1x1x16xf32> to vector<16xf32>
      %parallel_loop3A_345 = arith.addf %parallel_loop3A_344, %parallel_loop3A_338 : vector<16xf32>
      %parallel_loop3A_346 = arith.constant 0 : i32
      %parallel_loop3A_347 = arith.index_cast %parallel_loop3A_346 : i32 to index
      %parallel_loop3A_348 = arith.index_cast %parallel_loop3A_330 : i32 to index
      %parallel_loop3A_349 = arith.index_cast %parallel_loop3A_334 : i32 to index
      %parallel_loop3A_350 = tpu.vector_load %arg9[%parallel_loop3A_347, %parallel_loop3A_348, %parallel_loop3A_349] {strides = array<i32>} : memref<4x8x1024xf32, #tpu.memory_space<vmem>>, vector<1x1x16xf32>,
      %parallel_loop3A_351 = vector.shape_cast %parallel_loop3A_350 : vector<1x1x16xf32> to vector<16xf32>
      %parallel_loop3A_352 = vector.shape_cast %parallel_loop3A_345 : vector<16xf32> to vector<1x1x16xf32>
      tpu.vector_store %arg9[%parallel_loop3A_347, %parallel_loop3A_348, %parallel_loop3A_349], %parallel_loop3A_352 {strides = array<i32>} : memref<4x8x1024xf32, #tpu.memory_space<vmem>>, vector<1x1x16xf32>,
      %parallel_loop3A_353 = arith.constant 1 : i32
      %parallel_loop3A_354 = arith.index_cast %parallel_loop3A_353 : i32 to index
      %parallel_loop3A_355 = arith.index_cast %parallel_loop3A_330 : i32 to index
      %parallel_loop3A_356 = arith.index_cast %parallel_loop3A_334 : i32 to index
      %parallel_loop3A_357 = tpu.vector_load %arg9[%parallel_loop3A_354, %parallel_loop3A_355, %parallel_loop3A_356] {strides = array<i32>} : memref<4x8x1024xf32, #tpu.memory_space<vmem>>, vector<1x1x16xf32>,
      %parallel_loop3A_358 = vector.shape_cast %parallel_loop3A_357 : vector<1x1x16xf32> to vector<16xf32>
      %parallel_loop3A_359 = arith.addf %parallel_loop3A_358, %parallel_loop3A_338 : vector<16xf32>
      %parallel_loop3A_360 = arith.constant 1 : i32
      %parallel_loop3A_361 = arith.index_cast %parallel_loop3A_360 : i32 to index
      %parallel_loop3A_362 = arith.index_cast %parallel_loop3A_330 : i32 to index
      %parallel_loop3A_363 = arith.index_cast %parallel_loop3A_334 : i32 to index
      %parallel_loop3A_364 = tpu.vector_load %arg9[%parallel_loop3A_361, %parallel_loop3A_362, %parallel_loop3A_363] {strides = array<i32>} : memref<4x8x1024xf32, #tpu.memory_space<vmem>>, vector<1x1x16xf32>,
      %parallel_loop3A_365 = vector.shape_cast %parallel_loop3A_364 : vector<1x1x16xf32> to vector<16xf32>
      %parallel_loop3A_366 = vector.shape_cast %parallel_loop3A_359 : vector<16xf32> to vector<1x1x16xf32>
      tpu.vector_store %arg9[%parallel_loop3A_361, %parallel_loop3A_362, %parallel_loop3A_363], %parallel_loop3A_366 {strides = array<i32>} : memref<4x8x1024xf32, #tpu.memory_space<vmem>>, vector<1x1x16xf32>,
      %parallel_loop3A_367 = arith.constant 2 : i32
      %parallel_loop3A_368 = arith.index_cast %parallel_loop3A_367 : i32 to index
      %parallel_loop3A_369 = arith.index_cast %parallel_loop3A_330 : i32 to index
      %parallel_loop3A_370 = arith.index_cast %parallel_loop3A_334 : i32 to index
      %parallel_loop3A_371 = tpu.vector_load %arg9[%parallel_loop3A_368, %parallel_loop3A_369, %parallel_loop3A_370] {strides = array<i32>} : memref<4x8x1024xf32, #tpu.memory_space<vmem>>, vector<1x1x16xf32>,
      %parallel_loop3A_372 = vector.shape_cast %parallel_loop3A_371 : vector<1x1x16xf32> to vector<16xf32>
      %parallel_loop3A_373 = arith.addf %parallel_loop3A_372, %parallel_loop3A_338 : vector<16xf32>
      %parallel_loop3A_374 = arith.constant 2 : i32
      %parallel_loop3A_375 = arith.index_cast %parallel_loop3A_374 : i32 to index
      %parallel_loop3A_376 = arith.index_cast %parallel_loop3A_330 : i32 to index
      %parallel_loop3A_377 = arith.index_cast %parallel_loop3A_334 : i32 to index
      %parallel_loop3A_378 = tpu.vector_load %arg9[%parallel_loop3A_375, %parallel_loop3A_376, %parallel_loop3A_377] {strides = array<i32>} : memref<4x8x1024xf32, #tpu.memory_space<vmem>>, vector<1x1x16xf32>,
      %parallel_loop3A_379 = vector.shape_cast %parallel_loop3A_378 : vector<1x1x16xf32> to vector<16xf32>
      %parallel_loop3A_380 = vector.shape_cast %parallel_loop3A_373 : vector<16xf32> to vector<1x1x16xf32>
      tpu.vector_store %arg9[%parallel_loop3A_375, %parallel_loop3A_376, %parallel_loop3A_377], %parallel_loop3A_380 {strides = array<i32>} : memref<4x8x1024xf32, #tpu.memory_space<vmem>>, vector<1x1x16xf32>,
      %parallel_loop3A_381 = arith.constant 3 : i32
      %parallel_loop3A_382 = arith.index_cast %parallel_loop3A_381 : i32 to index
      %parallel_loop3A_383 = arith.index_cast %parallel_loop3A_330 : i32 to index
      %parallel_loop3A_384 = arith.index_cast %parallel_loop3A_334 : i32 to index
      %parallel_loop3A_385 = tpu.vector_load %arg9[%parallel_loop3A_382, %parallel_loop3A_383, %parallel_loop3A_384] {strides = array<i32>} : memref<4x8x1024xf32, #tpu.memory_space<vmem>>, vector<1x1x16xf32>,
      %parallel_loop3A_386 = vector.shape_cast %parallel_loop3A_385 : vector<1x1x16xf32> to vector<16xf32>
      %parallel_loop3A_387 = arith.addf %parallel_loop3A_386, %parallel_loop3A_338 : vector<16xf32>
      %parallel_loop3A_388 = arith.constant 3 : i32
      %parallel_loop3A_389 = arith.index_cast %parallel_loop3A_388 : i32 to index
      %parallel_loop3A_390 = arith.index_cast %parallel_loop3A_330 : i32 to index
      %parallel_loop3A_391 = arith.index_cast %parallel_loop3A_334 : i32 to index
      %parallel_loop3A_392 = tpu.vector_load %arg9[%parallel_loop3A_389, %parallel_loop3A_390, %parallel_loop3A_391] {strides = array<i32>} : memref<4x8x1024xf32, #tpu.memory_space<vmem>>, vector<1x1x16xf32>,
      %parallel_loop3A_393 = vector.shape_cast %parallel_loop3A_392 : vector<1x1x16xf32> to vector<16xf32>
      %parallel_loop3A_394 = vector.shape_cast %parallel_loop3A_387 : vector<16xf32> to vector<1x1x16xf32>
      tpu.vector_store %arg9[%parallel_loop3A_389, %parallel_loop3A_390, %parallel_loop3A_391], %parallel_loop3A_394 {strides = array<i32>} : memref<4x8x1024xf32, #tpu.memory_space<vmem>>, vector<1x1x16xf32>,
    } {sc.loop_unroll_factor = 8 : i64, sc.parallel_access}
    %add3A_240 = arith.constant 56 : i32
    %add3A_241 = arith.addi %mul3A_2, %add3A_240 : i32
    %dma_start3A_242 = arith.constant 0 : i32
    %dma_start3A_243 = tpu.memref_slice %arg3[%add3A_241, %dma_start3A_242] : memref<2048x1024xf32, #tpu.memory_space<hbm>> -> memref<8x1024xf32, #tpu.memory_space<hbm>>
    %dma_start3A_244 = arith.constant 0 : i32
    %dma_start3A_245 = tpu.memref_slice %arg3[%add3A_241, %dma_start3A_244] : memref<2048x1024xf32, #tpu.memory_space<hbm>> -> memref<8x1024xf32, #tpu.memory_space<hbm>>
    tpu.enqueue_dma source(%dma_start3A_245 : memref<8x1024xf32, #tpu.memory_space<hbm>>) target(%arg6 : memref<8x1024xf32, #tpu.memory_space<vmem>>) target_semaphore(%arg10 : memref<!tpu.dma_semaphore, #tpu.memory_space<semaphore_mem>>)
    %add3A_246 = arith.constant 40 : i32
    %add3A_247 = arith.addi %mul3A_2, %add3A_246 : i32
    %dma_start3A_248 = arith.constant 0 : i32
    %dma_start3A_249 = arith.constant 0 : i32
    %dma_start3A_250 = tpu.memref_slice %arg4[%dma_start3A_248, %add3A_247, %dma_start3A_249] : memref<4x2048x1024xf32, #tpu.memory_space<hbm>> -> memref<4x8x1024xf32, #tpu.memory_space<hbm>>
    %dma_start3A_251 = arith.constant 0 : i32
    %dma_start3A_252 = arith.constant 0 : i32
    %dma_start3A_253 = tpu.memref_slice %arg4[%dma_start3A_251, %add3A_247, %dma_start3A_252] : memref<4x2048x1024xf32, #tpu.memory_space<hbm>> -> memref<4x8x1024xf32, #tpu.memory_space<hbm>>
    tpu.enqueue_dma source(%arg9 : memref<4x8x1024xf32, #tpu.memory_space<vmem>>) target(%dma_start3A_253 : memref<4x8x1024xf32, #tpu.memory_space<hbm>>) target_semaphore(%arg16 : memref<!tpu.dma_semaphore, #tpu.memory_space<semaphore_mem>>)
    %dma_wait3A_254 = arith.constant 0 : i32
    %dma_wait3A_255 = arith.constant 0 : i32
    %dma_wait3A_256 = tpu.memref_slice %arg4[%dma_wait3A_254, %add3A_206, %dma_wait3A_255] : memref<4x2048x1024xf32, #tpu.memory_space<hbm>> -> memref<4x8x1024xf32, #tpu.memory_space<hbm>>
    %dma_wait3A_257 = arith.constant 0 : i32
    %dma_wait3A_258 = arith.constant 0 : i32
    %dma_wait3A_259 = tpu.memref_slice %arg4[%dma_wait3A_257, %add3A_206, %dma_wait3A_258] : memref<4x2048x1024xf32, #tpu.memory_space<hbm>> -> memref<4x8x1024xf32, #tpu.memory_space<hbm>>
    tpu.wait_dma2 semaphore(%arg15 : memref<!tpu.dma_semaphore, #tpu.memory_space<semaphore_mem>>) src(%arg8 : memref<4x8x1024xf32, #tpu.memory_space<vmem>>) dst(%dma_wait3A_259 : memref<4x8x1024xf32, #tpu.memory_space<hbm>>)
    %add3A_260 = arith.constant 56 : i32
    %add3A_261 = arith.addi %mul3A_2, %add3A_260 : i32
    %dma_start3A_262 = arith.constant 0 : i32
    %dma_start3A_263 = arith.constant 0 : i32
    %dma_start3A_264 = tpu.memref_slice %arg2[%dma_start3A_262, %add3A_261, %dma_start3A_263] : memref<4x2048x1024xf32, #tpu.memory_space<hbm>> -> memref<4x8x1024xf32, #tpu.memory_space<hbm>>
    %dma_start3A_265 = arith.constant 0 : i32
    %dma_start3A_266 = arith.constant 0 : i32
    %dma_start3A_267 = tpu.memref_slice %arg2[%dma_start3A_265, %add3A_261, %dma_start3A_266] : memref<4x2048x1024xf32, #tpu.memory_space<hbm>> -> memref<4x8x1024xf32, #tpu.memory_space<hbm>>
    tpu.enqueue_dma source(%dma_start3A_267 : memref<4x8x1024xf32, #tpu.memory_space<hbm>>) target(%arg8 : memref<4x8x1024xf32, #tpu.memory_space<vmem>>) target_semaphore(%arg12 : memref<!tpu.dma_semaphore, #tpu.memory_space<semaphore_mem>>)
    %dma_wait3A_268 = arith.constant 0 : i32
    %dma_wait3A_269 = tpu.memref_slice %arg3[%add3A_200, %dma_wait3A_268] : memref<2048x1024xf32, #tpu.memory_space<hbm>> -> memref<8x1024xf32, #tpu.memory_space<hbm>>
    %dma_wait3A_270 = arith.constant 0 : i32
    %dma_wait3A_271 = tpu.memref_slice %arg3[%add3A_200, %dma_wait3A_270] : memref<2048x1024xf32, #tpu.memory_space<hbm>> -> memref<8x1024xf32, #tpu.memory_space<hbm>>
    tpu.wait_dma2 semaphore(%arg10 : memref<!tpu.dma_semaphore, #tpu.memory_space<semaphore_mem>>) src(%dma_wait3A_271 : memref<8x1024xf32, #tpu.memory_space<hbm>>) dst(%arg5 : memref<8x1024xf32, #tpu.memory_space<vmem>>)
    %dma_wait3A_272 = arith.constant 0 : i32
    %dma_wait3A_273 = arith.constant 0 : i32
    %dma_wait3A_274 = tpu.memref_slice %arg2[%dma_wait3A_272, %add3A_220, %dma_wait3A_273] : memref<4x2048x1024xf32, #tpu.memory_space<hbm>> -> memref<4x8x1024xf32, #tpu.memory_space<hbm>>
    %dma_wait3A_275 = arith.constant 0 : i32
    %dma_wait3A_276 = arith.constant 0 : i32
    %dma_wait3A_277 = tpu.memref_slice %arg2[%dma_wait3A_275, %add3A_220, %dma_wait3A_276] : memref<4x2048x1024xf32, #tpu.memory_space<hbm>> -> memref<4x8x1024xf32, #tpu.memory_space<hbm>>
    tpu.wait_dma2 semaphore(%arg11 : memref<!tpu.dma_semaphore, #tpu.memory_space<semaphore_mem>>) src(%dma_wait3A_277 : memref<4x8x1024xf32, #tpu.memory_space<hbm>>) dst(%arg7 : memref<4x8x1024xf32, #tpu.memory_space<vmem>>)
    %parallel_loop3A_278 = arith.constant 0 : i32
    %parallel_loop3A_279 = arith.constant 512 : i32
    %parallel_loop3A_280 = arith.constant 1 : i32
    scf.for %parallel_loop3A_328 = %parallel_loop3A_278 to %parallel_loop3A_279 step %parallel_loop3A_280  : i32 {
      %parallel_loop3A_329 = arith.constant 6 : i32
      %parallel_loop3A_330 = arith.shrsi %parallel_loop3A_328, %parallel_loop3A_329 : i32
      %parallel_loop3A_331 = arith.constant 63 : i32
      %parallel_loop3A_332 = arith.andi %parallel_loop3A_328, %parallel_loop3A_331 : i32
      %parallel_loop3A_333 = arith.constant 16 : i32
      %parallel_loop3A_334 = arith.muli %parallel_loop3A_332, %parallel_loop3A_333 : i32
      %parallel_loop3A_335 = arith.index_cast %parallel_loop3A_330 : i32 to index
      %parallel_loop3A_336 = arith.index_cast %parallel_loop3A_334 : i32 to index
      %parallel_loop3A_337 = tpu.vector_load %arg5[%parallel_loop3A_335, %parallel_loop3A_336] {strides = array<i32>} : memref<8x1024xf32, #tpu.memory_space<vmem>>, vector<1x16xf32>,
      %parallel_loop3A_338 = vector.shape_cast %parallel_loop3A_337 : vector<1x16xf32> to vector<16xf32>
      %parallel_loop3A_339 = arith.constant 0 : i32
      %parallel_loop3A_340 = arith.index_cast %parallel_loop3A_339 : i32 to index
      %parallel_loop3A_341 = arith.index_cast %parallel_loop3A_330 : i32 to index
      %parallel_loop3A_342 = arith.index_cast %parallel_loop3A_334 : i32 to index
      %parallel_loop3A_343 = tpu.vector_load %arg7[%parallel_loop3A_340, %parallel_loop3A_341, %parallel_loop3A_342] {strides = array<i32>} : memref<4x8x1024xf32, #tpu.memory_space<vmem>>, vector<1x1x16xf32>,
      %parallel_loop3A_344 = vector.shape_cast %parallel_loop3A_343 : vector<1x1x16xf32> to vector<16xf32>
      %parallel_loop3A_345 = arith.addf %parallel_loop3A_344, %parallel_loop3A_338 : vector<16xf32>
      %parallel_loop3A_346 = arith.constant 0 : i32
      %parallel_loop3A_347 = arith.index_cast %parallel_loop3A_346 : i32 to index
      %parallel_loop3A_348 = arith.index_cast %parallel_loop3A_330 : i32 to index
      %parallel_loop3A_349 = arith.index_cast %parallel_loop3A_334 : i32 to index
      %parallel_loop3A_350 = tpu.vector_load %arg7[%parallel_loop3A_347, %parallel_loop3A_348, %parallel_loop3A_349] {strides = array<i32>} : memref<4x8x1024xf32, #tpu.memory_space<vmem>>, vector<1x1x16xf32>,
      %parallel_loop3A_351 = vector.shape_cast %parallel_loop3A_350 : vector<1x1x16xf32> to vector<16xf32>
      %parallel_loop3A_352 = vector.shape_cast %parallel_loop3A_345 : vector<16xf32> to vector<1x1x16xf32>
      tpu.vector_store %arg7[%parallel_loop3A_347, %parallel_loop3A_348, %parallel_loop3A_349], %parallel_loop3A_352 {strides = array<i32>} : memref<4x8x1024xf32, #tpu.memory_space<vmem>>, vector<1x1x16xf32>,
      %parallel_loop3A_353 = arith.constant 1 : i32
      %parallel_loop3A_354 = arith.index_cast %parallel_loop3A_353 : i32 to index
      %parallel_loop3A_355 = arith.index_cast %parallel_loop3A_330 : i32 to index
      %parallel_loop3A_356 = arith.index_cast %parallel_loop3A_334 : i32 to index
      %parallel_loop3A_357 = tpu.vector_load %arg7[%parallel_loop3A_354, %parallel_loop3A_355, %parallel_loop3A_356] {strides = array<i32>} : memref<4x8x1024xf32, #tpu.memory_space<vmem>>, vector<1x1x16xf32>,
      %parallel_loop3A_358 = vector.shape_cast %parallel_loop3A_357 : vector<1x1x16xf32> to vector<16xf32>
      %parallel_loop3A_359 = arith.addf %parallel_loop3A_358, %parallel_loop3A_338 : vector<16xf32>
      %parallel_loop3A_360 = arith.constant 1 : i32
      %parallel_loop3A_361 = arith.index_cast %parallel_loop3A_360 : i32 to index
      %parallel_loop3A_362 = arith.index_cast %parallel_loop3A_330 : i32 to index
      %parallel_loop3A_363 = arith.index_cast %parallel_loop3A_334 : i32 to index
      %parallel_loop3A_364 = tpu.vector_load %arg7[%parallel_loop3A_361, %parallel_loop3A_362, %parallel_loop3A_363] {strides = array<i32>} : memref<4x8x1024xf32, #tpu.memory_space<vmem>>, vector<1x1x16xf32>,
      %parallel_loop3A_365 = vector.shape_cast %parallel_loop3A_364 : vector<1x1x16xf32> to vector<16xf32>
      %parallel_loop3A_366 = vector.shape_cast %parallel_loop3A_359 : vector<16xf32> to vector<1x1x16xf32>
      tpu.vector_store %arg7[%parallel_loop3A_361, %parallel_loop3A_362, %parallel_loop3A_363], %parallel_loop3A_366 {strides = array<i32>} : memref<4x8x1024xf32, #tpu.memory_space<vmem>>, vector<1x1x16xf32>,
      %parallel_loop3A_367 = arith.constant 2 : i32
      %parallel_loop3A_368 = arith.index_cast %parallel_loop3A_367 : i32 to index
      %parallel_loop3A_369 = arith.index_cast %parallel_loop3A_330 : i32 to index
      %parallel_loop3A_370 = arith.index_cast %parallel_loop3A_334 : i32 to index
      %parallel_loop3A_371 = tpu.vector_load %arg7[%parallel_loop3A_368, %parallel_loop3A_369, %parallel_loop3A_370] {strides = array<i32>} : memref<4x8x1024xf32, #tpu.memory_space<vmem>>, vector<1x1x16xf32>,
      %parallel_loop3A_372 = vector.shape_cast %parallel_loop3A_371 : vector<1x1x16xf32> to vector<16xf32>
      %parallel_loop3A_373 = arith.addf %parallel_loop3A_372, %parallel_loop3A_338 : vector<16xf32>
      %parallel_loop3A_374 = arith.constant 2 : i32
      %parallel_loop3A_375 = arith.index_cast %parallel_loop3A_374 : i32 to index
      %parallel_loop3A_376 = arith.index_cast %parallel_loop3A_330 : i32 to index
      %parallel_loop3A_377 = arith.index_cast %parallel_loop3A_334 : i32 to index
      %parallel_loop3A_378 = tpu.vector_load %arg7[%parallel_loop3A_375, %parallel_loop3A_376, %parallel_loop3A_377] {strides = array<i32>} : memref<4x8x1024xf32, #tpu.memory_space<vmem>>, vector<1x1x16xf32>,
      %parallel_loop3A_379 = vector.shape_cast %parallel_loop3A_378 : vector<1x1x16xf32> to vector<16xf32>
      %parallel_loop3A_380 = vector.shape_cast %parallel_loop3A_373 : vector<16xf32> to vector<1x1x16xf32>
      tpu.vector_store %arg7[%parallel_loop3A_375, %parallel_loop3A_376, %parallel_loop3A_377], %parallel_loop3A_380 {strides = array<i32>} : memref<4x8x1024xf32, #tpu.memory_space<vmem>>, vector<1x1x16xf32>,
      %parallel_loop3A_381 = arith.constant 3 : i32
      %parallel_loop3A_382 = arith.index_cast %parallel_loop3A_381 : i32 to index
      %parallel_loop3A_383 = arith.index_cast %parallel_loop3A_330 : i32 to index
      %parallel_loop3A_384 = arith.index_cast %parallel_loop3A_334 : i32 to index
      %parallel_loop3A_385 = tpu.vector_load %arg7[%parallel_loop3A_382, %parallel_loop3A_383, %parallel_loop3A_384] {strides = array<i32>} : memref<4x8x1024xf32, #tpu.memory_space<vmem>>, vector<1x1x16xf32>,
      %parallel_loop3A_386 = vector.shape_cast %parallel_loop3A_385 : vector<1x1x16xf32> to vector<16xf32>
      %parallel_loop3A_387 = arith.addf %parallel_loop3A_386, %parallel_loop3A_338 : vector<16xf32>
      %parallel_loop3A_388 = arith.constant 3 : i32
      %parallel_loop3A_389 = arith.index_cast %parallel_loop3A_388 : i32 to index
      %parallel_loop3A_390 = arith.index_cast %parallel_loop3A_330 : i32 to index
      %parallel_loop3A_391 = arith.index_cast %parallel_loop3A_334 : i32 to index
      %parallel_loop3A_392 = tpu.vector_load %arg7[%parallel_loop3A_389, %parallel_loop3A_390, %parallel_loop3A_391] {strides = array<i32>} : memref<4x8x1024xf32, #tpu.memory_space<vmem>>, vector<1x1x16xf32>,
      %parallel_loop3A_393 = vector.shape_cast %parallel_loop3A_392 : vector<1x1x16xf32> to vector<16xf32>
      %parallel_loop3A_394 = vector.shape_cast %parallel_loop3A_387 : vector<16xf32> to vector<1x1x16xf32>
      tpu.vector_store %arg7[%parallel_loop3A_389, %parallel_loop3A_390, %parallel_loop3A_391], %parallel_loop3A_394 {strides = array<i32>} : memref<4x8x1024xf32, #tpu.memory_space<vmem>>, vector<1x1x16xf32>,
    } {sc.loop_unroll_factor = 8 : i64, sc.parallel_access}
    %add3A_281 = arith.constant 48 : i32
    %add3A_282 = arith.addi %mul3A_2, %add3A_281 : i32
    %dma_start3A_283 = arith.constant 0 : i32
    %dma_start3A_284 = arith.constant 0 : i32
    %dma_start3A_285 = tpu.memref_slice %arg4[%dma_start3A_283, %add3A_282, %dma_start3A_284] : memref<4x2048x1024xf32, #tpu.memory_space<hbm>> -> memref<4x8x1024xf32, #tpu.memory_space<hbm>>
    %dma_start3A_286 = arith.constant 0 : i32
    %dma_start3A_287 = arith.constant 0 : i32
    %dma_start3A_288 = tpu.memref_slice %arg4[%dma_start3A_286, %add3A_282, %dma_start3A_287] : memref<4x2048x1024xf32, #tpu.memory_space<hbm>> -> memref<4x8x1024xf32, #tpu.memory_space<hbm>>
    tpu.enqueue_dma source(%arg7 : memref<4x8x1024xf32, #tpu.memory_space<vmem>>) target(%dma_start3A_288 : memref<4x8x1024xf32, #tpu.memory_space<hbm>>) target_semaphore(%arg14 : memref<!tpu.dma_semaphore, #tpu.memory_space<semaphore_mem>>)
    %dma_wait3A_289 = arith.constant 0 : i32
    %dma_wait3A_290 = tpu.memref_slice %arg3[%add3A_241, %dma_wait3A_289] : memref<2048x1024xf32, #tpu.memory_space<hbm>> -> memref<8x1024xf32, #tpu.memory_space<hbm>>
    %dma_wait3A_291 = arith.constant 0 : i32
    %dma_wait3A_292 = tpu.memref_slice %arg3[%add3A_241, %dma_wait3A_291] : memref<2048x1024xf32, #tpu.memory_space<hbm>> -> memref<8x1024xf32, #tpu.memory_space<hbm>>
    tpu.wait_dma2 semaphore(%arg10 : memref<!tpu.dma_semaphore, #tpu.memory_space<semaphore_mem>>) src(%dma_wait3A_292 : memref<8x1024xf32, #tpu.memory_space<hbm>>) dst(%arg6 : memref<8x1024xf32, #tpu.memory_space<vmem>>)
    %dma_wait3A_293 = arith.constant 0 : i32
    %dma_wait3A_294 = arith.constant 0 : i32
    %dma_wait3A_295 = tpu.memref_slice %arg2[%dma_wait3A_293, %add3A_261, %dma_wait3A_294] : memref<4x2048x1024xf32, #tpu.memory_space<hbm>> -> memref<4x8x1024xf32, #tpu.memory_space<hbm>>
    %dma_wait3A_296 = arith.constant 0 : i32
    %dma_wait3A_297 = arith.constant 0 : i32
    %dma_wait3A_298 = tpu.memref_slice %arg2[%dma_wait3A_296, %add3A_261, %dma_wait3A_297] : memref<4x2048x1024xf32, #tpu.memory_space<hbm>> -> memref<4x8x1024xf32, #tpu.memory_space<hbm>>
    tpu.wait_dma2 semaphore(%arg12 : memref<!tpu.dma_semaphore, #tpu.memory_space<semaphore_mem>>) src(%dma_wait3A_298 : memref<4x8x1024xf32, #tpu.memory_space<hbm>>) dst(%arg8 : memref<4x8x1024xf32, #tpu.memory_space<vmem>>)
    %parallel_loop3A_299 = arith.constant 0 : i32
    %parallel_loop3A_300 = arith.constant 512 : i32
    %parallel_loop3A_301 = arith.constant 1 : i32
    scf.for %parallel_loop3A_328 = %parallel_loop3A_299 to %parallel_loop3A_300 step %parallel_loop3A_301  : i32 {
      %parallel_loop3A_329 = arith.constant 6 : i32
      %parallel_loop3A_330 = arith.shrsi %parallel_loop3A_328, %parallel_loop3A_329 : i32
      %parallel_loop3A_331 = arith.constant 63 : i32
      %parallel_loop3A_332 = arith.andi %parallel_loop3A_328, %parallel_loop3A_331 : i32
      %parallel_loop3A_333 = arith.constant 16 : i32
      %parallel_loop3A_334 = arith.muli %parallel_loop3A_332, %parallel_loop3A_333 : i32
      %parallel_loop3A_335 = arith.index_cast %parallel_loop3A_330 : i32 to index
      %parallel_loop3A_336 = arith.index_cast %parallel_loop3A_334 : i32 to index
      %parallel_loop3A_337 = tpu.vector_load %arg6[%parallel_loop3A_335, %parallel_loop3A_336] {strides = array<i32>} : memref<8x1024xf32, #tpu.memory_space<vmem>>, vector<1x16xf32>,
      %parallel_loop3A_338 = vector.shape_cast %parallel_loop3A_337 : vector<1x16xf32> to vector<16xf32>
      %parallel_loop3A_339 = arith.constant 0 : i32
      %parallel_loop3A_340 = arith.index_cast %parallel_loop3A_339 : i32 to index
      %parallel_loop3A_341 = arith.index_cast %parallel_loop3A_330 : i32 to index
      %parallel_loop3A_342 = arith.index_cast %parallel_loop3A_334 : i32 to index
      %parallel_loop3A_343 = tpu.vector_load %arg8[%parallel_loop3A_340, %parallel_loop3A_341, %parallel_loop3A_342] {strides = array<i32>} : memref<4x8x1024xf32, #tpu.memory_space<vmem>>, vector<1x1x16xf32>,
      %parallel_loop3A_344 = vector.shape_cast %parallel_loop3A_343 : vector<1x1x16xf32> to vector<16xf32>
      %parallel_loop3A_345 = arith.addf %parallel_loop3A_344, %parallel_loop3A_338 : vector<16xf32>
      %parallel_loop3A_346 = arith.constant 0 : i32
      %parallel_loop3A_347 = arith.index_cast %parallel_loop3A_346 : i32 to index
      %parallel_loop3A_348 = arith.index_cast %parallel_loop3A_330 : i32 to index
      %parallel_loop3A_349 = arith.index_cast %parallel_loop3A_334 : i32 to index
      %parallel_loop3A_350 = tpu.vector_load %arg8[%parallel_loop3A_347, %parallel_loop3A_348, %parallel_loop3A_349] {strides = array<i32>} : memref<4x8x1024xf32, #tpu.memory_space<vmem>>, vector<1x1x16xf32>,
      %parallel_loop3A_351 = vector.shape_cast %parallel_loop3A_350 : vector<1x1x16xf32> to vector<16xf32>
      %parallel_loop3A_352 = vector.shape_cast %parallel_loop3A_345 : vector<16xf32> to vector<1x1x16xf32>
      tpu.vector_store %arg8[%parallel_loop3A_347, %parallel_loop3A_348, %parallel_loop3A_349], %parallel_loop3A_352 {strides = array<i32>} : memref<4x8x1024xf32, #tpu.memory_space<vmem>>, vector<1x1x16xf32>,
      %parallel_loop3A_353 = arith.constant 1 : i32
      %parallel_loop3A_354 = arith.index_cast %parallel_loop3A_353 : i32 to index
      %parallel_loop3A_355 = arith.index_cast %parallel_loop3A_330 : i32 to index
      %parallel_loop3A_356 = arith.index_cast %parallel_loop3A_334 : i32 to index
      %parallel_loop3A_357 = tpu.vector_load %arg8[%parallel_loop3A_354, %parallel_loop3A_355, %parallel_loop3A_356] {strides = array<i32>} : memref<4x8x1024xf32, #tpu.memory_space<vmem>>, vector<1x1x16xf32>,
      %parallel_loop3A_358 = vector.shape_cast %parallel_loop3A_357 : vector<1x1x16xf32> to vector<16xf32>
      %parallel_loop3A_359 = arith.addf %parallel_loop3A_358, %parallel_loop3A_338 : vector<16xf32>
      %parallel_loop3A_360 = arith.constant 1 : i32
      %parallel_loop3A_361 = arith.index_cast %parallel_loop3A_360 : i32 to index
      %parallel_loop3A_362 = arith.index_cast %parallel_loop3A_330 : i32 to index
      %parallel_loop3A_363 = arith.index_cast %parallel_loop3A_334 : i32 to index
      %parallel_loop3A_364 = tpu.vector_load %arg8[%parallel_loop3A_361, %parallel_loop3A_362, %parallel_loop3A_363] {strides = array<i32>} : memref<4x8x1024xf32, #tpu.memory_space<vmem>>, vector<1x1x16xf32>,
      %parallel_loop3A_365 = vector.shape_cast %parallel_loop3A_364 : vector<1x1x16xf32> to vector<16xf32>
      %parallel_loop3A_366 = vector.shape_cast %parallel_loop3A_359 : vector<16xf32> to vector<1x1x16xf32>
      tpu.vector_store %arg8[%parallel_loop3A_361, %parallel_loop3A_362, %parallel_loop3A_363], %parallel_loop3A_366 {strides = array<i32>} : memref<4x8x1024xf32, #tpu.memory_space<vmem>>, vector<1x1x16xf32>,
      %parallel_loop3A_367 = arith.constant 2 : i32
      %parallel_loop3A_368 = arith.index_cast %parallel_loop3A_367 : i32 to index
      %parallel_loop3A_369 = arith.index_cast %parallel_loop3A_330 : i32 to index
      %parallel_loop3A_370 = arith.index_cast %parallel_loop3A_334 : i32 to index
      %parallel_loop3A_371 = tpu.vector_load %arg8[%parallel_loop3A_368, %parallel_loop3A_369, %parallel_loop3A_370] {strides = array<i32>} : memref<4x8x1024xf32, #tpu.memory_space<vmem>>, vector<1x1x16xf32>,
      %parallel_loop3A_372 = vector.shape_cast %parallel_loop3A_371 : vector<1x1x16xf32> to vector<16xf32>
      %parallel_loop3A_373 = arith.addf %parallel_loop3A_372, %parallel_loop3A_338 : vector<16xf32>
      %parallel_loop3A_374 = arith.constant 2 : i32
      %parallel_loop3A_375 = arith.index_cast %parallel_loop3A_374 : i32 to index
      %parallel_loop3A_376 = arith.index_cast %parallel_loop3A_330 : i32 to index
      %parallel_loop3A_377 = arith.index_cast %parallel_loop3A_334 : i32 to index
      %parallel_loop3A_378 = tpu.vector_load %arg8[%parallel_loop3A_375, %parallel_loop3A_376, %parallel_loop3A_377] {strides = array<i32>} : memref<4x8x1024xf32, #tpu.memory_space<vmem>>, vector<1x1x16xf32>,
      %parallel_loop3A_379 = vector.shape_cast %parallel_loop3A_378 : vector<1x1x16xf32> to vector<16xf32>
      %parallel_loop3A_380 = vector.shape_cast %parallel_loop3A_373 : vector<16xf32> to vector<1x1x16xf32>
      tpu.vector_store %arg8[%parallel_loop3A_375, %parallel_loop3A_376, %parallel_loop3A_377], %parallel_loop3A_380 {strides = array<i32>} : memref<4x8x1024xf32, #tpu.memory_space<vmem>>, vector<1x1x16xf32>,
      %parallel_loop3A_381 = arith.constant 3 : i32
      %parallel_loop3A_382 = arith.index_cast %parallel_loop3A_381 : i32 to index
      %parallel_loop3A_383 = arith.index_cast %parallel_loop3A_330 : i32 to index
      %parallel_loop3A_384 = arith.index_cast %parallel_loop3A_334 : i32 to index
      %parallel_loop3A_385 = tpu.vector_load %arg8[%parallel_loop3A_382, %parallel_loop3A_383, %parallel_loop3A_384] {strides = array<i32>} : memref<4x8x1024xf32, #tpu.memory_space<vmem>>, vector<1x1x16xf32>,
      %parallel_loop3A_386 = vector.shape_cast %parallel_loop3A_385 : vector<1x1x16xf32> to vector<16xf32>
      %parallel_loop3A_387 = arith.addf %parallel_loop3A_386, %parallel_loop3A_338 : vector<16xf32>
      %parallel_loop3A_388 = arith.constant 3 : i32
      %parallel_loop3A_389 = arith.index_cast %parallel_loop3A_388 : i32 to index
      %parallel_loop3A_390 = arith.index_cast %parallel_loop3A_330 : i32 to index
      %parallel_loop3A_391 = arith.index_cast %parallel_loop3A_334 : i32 to index
      %parallel_loop3A_392 = tpu.vector_load %arg8[%parallel_loop3A_389, %parallel_loop3A_390, %parallel_loop3A_391] {strides = array<i32>} : memref<4x8x1024xf32, #tpu.memory_space<vmem>>, vector<1x1x16xf32>,
      %parallel_loop3A_393 = vector.shape_cast %parallel_loop3A_392 : vector<1x1x16xf32> to vector<16xf32>
      %parallel_loop3A_394 = vector.shape_cast %parallel_loop3A_387 : vector<16xf32> to vector<1x1x16xf32>
      tpu.vector_store %arg8[%parallel_loop3A_389, %parallel_loop3A_390, %parallel_loop3A_391], %parallel_loop3A_394 {strides = array<i32>} : memref<4x8x1024xf32, #tpu.memory_space<vmem>>, vector<1x1x16xf32>,
    } {sc.loop_unroll_factor = 8 : i64, sc.parallel_access}
    %add3A_302 = arith.constant 56 : i32
    %add3A_303 = arith.addi %mul3A_2, %add3A_302 : i32
    %dma_start3A_304 = arith.constant 0 : i32
    %dma_start3A_305 = arith.constant 0 : i32
    %dma_start3A_306 = tpu.memref_slice %arg4[%dma_start3A_304, %add3A_303, %dma_start3A_305] : memref<4x2048x1024xf32, #tpu.memory_space<hbm>> -> memref<4x8x1024xf32, #tpu.memory_space<hbm>>
    %dma_start3A_307 = arith.constant 0 : i32
    %dma_start3A_308 = arith.constant 0 : i32
    %dma_start3A_309 = tpu.memref_slice %arg4[%dma_start3A_307, %add3A_303, %dma_start3A_308] : memref<4x2048x1024xf32, #tpu.memory_space<hbm>> -> memref<4x8x1024xf32, #tpu.memory_space<hbm>>
    tpu.enqueue_dma source(%arg8 : memref<4x8x1024xf32, #tpu.memory_space<vmem>>) target(%dma_start3A_309 : memref<4x8x1024xf32, #tpu.memory_space<hbm>>) target_semaphore(%arg15 : memref<!tpu.dma_semaphore, #tpu.memory_space<semaphore_mem>>)
    %dma_wait3A_310 = arith.constant 0 : i32
    %dma_wait3A_311 = arith.constant 0 : i32
    %dma_wait3A_312 = tpu.memref_slice %arg4[%dma_wait3A_310, %add3A_247, %dma_wait3A_311] : memref<4x2048x1024xf32, #tpu.memory_space<hbm>> -> memref<4x8x1024xf32, #tpu.memory_space<hbm>>
    %dma_wait3A_313 = arith.constant 0 : i32
    %dma_wait3A_314 = arith.constant 0 : i32
    %dma_wait3A_315 = tpu.memref_slice %arg4[%dma_wait3A_313, %add3A_247, %dma_wait3A_314] : memref<4x2048x1024xf32, #tpu.memory_space<hbm>> -> memref<4x8x1024xf32, #tpu.memory_space<hbm>>
    tpu.wait_dma2 semaphore(%arg16 : memref<!tpu.dma_semaphore, #tpu.memory_space<semaphore_mem>>) src(%arg9 : memref<4x8x1024xf32, #tpu.memory_space<vmem>>) dst(%dma_wait3A_315 : memref<4x8x1024xf32, #tpu.memory_space<hbm>>)
    %dma_wait3A_316 = arith.constant 0 : i32
    %dma_wait3A_317 = arith.constant 0 : i32
    %dma_wait3A_318 = tpu.memref_slice %arg4[%dma_wait3A_316, %add3A_282, %dma_wait3A_317] : memref<4x2048x1024xf32, #tpu.memory_space<hbm>> -> memref<4x8x1024xf32, #tpu.memory_space<hbm>>
    %dma_wait3A_319 = arith.constant 0 : i32
    %dma_wait3A_320 = arith.constant 0 : i32
    %dma_wait3A_321 = tpu.memref_slice %arg4[%dma_wait3A_319, %add3A_282, %dma_wait3A_320] : memref<4x2048x1024xf32, #tpu.memory_space<hbm>> -> memref<4x8x1024xf32, #tpu.memory_space<hbm>>
    tpu.wait_dma2 semaphore(%arg14 : memref<!tpu.dma_semaphore, #tpu.memory_space<semaphore_mem>>) src(%arg7 : memref<4x8x1024xf32, #tpu.memory_space<vmem>>) dst(%dma_wait3A_321 : memref<4x8x1024xf32, #tpu.memory_space<hbm>>)
    %dma_wait3A_322 = arith.constant 0 : i32
    %dma_wait3A_323 = arith.constant 0 : i32
    %dma_wait3A_324 = tpu.memref_slice %arg4[%dma_wait3A_322, %add3A_303, %dma_wait3A_323] : memref<4x2048x1024xf32, #tpu.memory_space<hbm>> -> memref<4x8x1024xf32, #tpu.memory_space<hbm>>
    %dma_wait3A_325 = arith.constant 0 : i32
    %dma_wait3A_326 = arith.constant 0 : i32
    %dma_wait3A_327 = tpu.memref_slice %arg4[%dma_wait3A_325, %add3A_303, %dma_wait3A_326] : memref<4x2048x1024xf32, #tpu.memory_space<hbm>> -> memref<4x8x1024xf32, #tpu.memory_space<hbm>>
    tpu.wait_dma2 semaphore(%arg15 : memref<!tpu.dma_semaphore, #tpu.memory_space<semaphore_mem>>) src(%arg8 : memref<4x8x1024xf32, #tpu.memory_space<vmem>>) dst(%dma_wait3A_327 : memref<4x8x1024xf32, #tpu.memory_space<hbm>>)
    return
  }
}

</mosaic_0001>

<sc_bundles>
// kernel: kernel.3.cloned.1.call-start
scs
__scs_entry_jumppad:
0x0: {  	(pc) =	sbr.rel $0x88, $3  }
0x1: {  	(tag) =	ssettag $0x0;
	lr =	simm.s32 $0x1  }
0x2: {  	[smem:$0x3F9F] =	sst lr;
	_ =	strace $0xD0000000  }
0x3: {  	_ = 	snop  }
0x4: {  	_ = 	snop  }
0x5: {  	_ = 	snop  }
0x6: {  	_ = 	snop  }
0x7: {  	_ = 	snop  }
__scs_overlays_trampoline_lowered:
0x8: {  	[smem:$0x3FAE] =	sst s0  }
0x9: {  	[smem:$0x3FAF] =	sst s1  }
0xa: {  	[smem:$0x3FB0] =	sst s2  }
0xb: {  	[smem:$0x3FB1] =	sst s3  }
0xc: {  	[smem:$0x3FB2] =	sst s4  }
0xd: {  	[smem:$0x3FB3] =	sst s5  }
0xe: {  	[smem:$0x3FB4] =	sst s6  }
0xf: {  	[smem:$0x3FB5] =	sst s7  }
0x10: {  	[smem:$0x3FB6] =	sst s8  }
0x11: {  	[smem:$0x3FB7] =	sst s9;
	s0 =	simm.s32 @!p0 $0x0  }
0x12: {  	s1 =	sld [smem:$0x3F9D];
	s0 =	simm.s32 @p0 $0x1  }
0x13: {  	[smem:$0x3FB8] =	sst s0;
	s0 =	simm.s32 @!p1 $0x0  }
0x14: {  	s2 =	sld [smem:$0x3F9C];
	s0 =	simm.s32 @p1 $0x1  }
0x15: {  	[smem:$0x3FB9] =	sst s0;
	s0 =	simm.s32 @!p2 $0x0  }
0x16: {  	s3 =	sld [smem:$0x3FDB];
	s0 =	simm.s32 @p2 $0x1  }
0x17: {  	s4 =	simm.s32 $0x1BF5;
	[smem:$0x3FBB] =	sst s0  }
0x18: {  	s0 =	sld [smem:$0x3F9E];
	_ =	swait.ge [sflag:s4], $0x0  }
0x19: {  	s7 =	sld [smem:$0x3F9F]  }
0x1a: {  	s8 =	sadd.s32 $0xFFFFE003, lr  }
0x1b: {  	s9 =	sadd.s32 $0xFFFFFEF7, lr;
	s5 =	simm.s32 $0xFFFFFFFF;
	p2 =	slt.u32 s8, $0xFFFFF086  }
0x1c: {  	p1 =	slt.u32 s9, $0xF7A;
	s5 =	simm.s32 @!p2 $0x0  }
0x1d: {  	s5 =	simm.s32 @p1 $0x1;
	p0 =	seq.s32 s7, s2  }
0x1e: {  	s7 =	smul.u32 @!p0 $0xF7A, s2;
	p2 =	seq.s32 @!p0 s5, $0x0  }
0x1f: {  	s9 =	smul.u32 $0xF7A, s1;
	s8 =	simm.s32 @!p0 $0x1BF5;
	p2 =	por !p2, p0  }
0x20: {  	[sflag:s8] =	ssyncset.s32 @!p0 $0xFFFFF086;
	s6 =	sadd.s32 @!p0 s3, s7;
	s7 =	simm.s32 @!p0 $0x108  }
0x21: {  	s3 =	sadd.s32 s3, s9;
	s6 =	sadd.s32 @!p0 $0x88, s6;
	s7 =	simm.s32 @p2 $0x1082  }
0x22: {  	[simem:s7], [sflag:s8] =	dma.local @!p0 [hbm:s6], $0xF7A  }
0x23: {  	s9 =	sor.u32 $0xD0000000, s2;
	s6 =	simm.s32 $0x108;
	_ =	swait.ge @!p0 [sflag:s8], $0x0  }
0x24: {  	s3 =	sadd.s32 $0x88, s3;
	s6 =	simm.s32 @!p1 $0x1082;
	[sflag:s4] =	ssyncset.s32 $0xFFFFF086  }
0x25: {  	[simem:s6], [sflag:s4] =	dma.local [hbm:s3], $0xF7A  }
0x26: {  	[smem:$0x3F9F] =	sst s1;
	(tag) =	ssettag s2;
	_ =	strace s9  }
0x27: {  	s1 =	sld [smem:$0x3FAF]  }
0x28: {  	s2 =	sld [smem:$0x3FB0]  }
0x29: {  	s4 =	sld [smem:$0x3FB2]  }
0x2a: {  	p0 =	seq.s32 s5, $0x0;
	s5 =	sld [smem:$0x3FB3]  }
0x2b: {  	s6 =	sld [smem:$0x3FB4]  }
0x2c: {  	s7 =	sld [smem:$0x3FB5]  }
0x2d: {  	s3 =	simm.s32 $0x108;
	s8 =	sld [smem:$0x3FB6]  }
0x2e: {  	s3 =	simm.s32 @!p0 $0x1082;
	s9 =	sld [smem:$0x3FB7]  }
0x2f: {  	lr =	sadd.s32 s0, s3;
	s0 =	sld [smem:$0x3FAE]  }
0x30: {  	s3 =	sld [smem:$0x3FB1]  }
0x31: {  	[smem:$0x3FBA] =	sst s10  }
0x32: {  	s10 =	sld [smem:$0x3FB8];
	_ =	sdelay $0x3  }
0x33: {  	p0 =	seq.s32 s10, $0x1;
	s10 =	sld [smem:$0x3FBA];
	_ =	sdelay $0x3  }
0x34: {  	[smem:$0x3FBA] =	sst s10  }
0x35: {  	s10 =	sld [smem:$0x3FB9];
	_ =	sdelay $0x3  }
0x36: {  	p1 =	seq.s32 s10, $0x1;
	s10 =	sld [smem:$0x3FBA];
	_ =	sdelay $0x3  }
0x37: {  	[smem:$0x3FBA] =	sst s10  }
0x38: {  	s10 =	sld [smem:$0x3FBB]  }
0x39: {  	_ = 	snop;
	(pc) =	sbr.ind lr, $3  }
0x3a: {  	_ = 	snop  }
0x3b: {  	_ = 	snop  }
0x3c: {  	p2 =	seq.s32 s10, $0x1;
	s10 =	sld [smem:$0x3FBA]  }
0x3d: {  	_ =	shalt  }
0x3e: {  	_ =	shalt  }
0x3f: {  	_ =	shalt  }
0x40: {  	_ =	shalt  }
0x41: {  	_ =	shalt  }
0x42: {  	_ =	shalt  }
0x43: {  	_ =	shalt  }
0x44: {  	_ =	shalt  }
0x45: {  	_ =	shalt  }
0x46: {  	_ =	shalt  }
0x47: {  	_ =	shalt  }
0x48: {  	_ =	shalt  }
0x49: {  	_ =	shalt  }
0x4a: {  	_ =	shalt  }
0x4b: {  	_ =	shalt  }
0x4c: {  	_ =	shalt  }
0x4d: {  	_ =	shalt  }
0x4e: {  	_ =	shalt  }
0x4f: {  	_ =	shalt  }
0x50: {  	_ =	shalt  }
0x51: {  	_ =	shalt  }
0x52: {  	_ =	shalt  }
0x53: {  	_ =	shalt  }
0x54: {  	_ =	shalt  }
0x55: {  	_ =	shalt  }
0x56: {  	_ =	shalt  }
0x57: {  	_ =	shalt  }
0x58: {  	_ =	shalt  }
0x59: {  	_ =	shalt  }
0x5a: {  	_ =	shalt  }
0x5b: {  	_ =	shalt  }
0x5c: {  	_ =	shalt  }
0x5d: {  	_ =	shalt  }
0x5e: {  	_ =	shalt  }
0x5f: {  	_ =	shalt  }
0x60: {  	_ =	shalt  }
0x61: {  	_ =	shalt  }
0x62: {  	_ =	shalt  }
0x63: {  	_ =	shalt  }
0x64: {  	_ =	shalt  }
0x65: {  	_ =	shalt  }
0x66: {  	_ =	shalt  }
0x67: {  	_ =	shalt  }
0x68: {  	_ =	shalt  }
0x69: {  	_ =	shalt  }
0x6a: {  	_ =	shalt  }
0x6b: {  	_ =	shalt  }
0x6c: {  	_ =	shalt  }
0x6d: {  	_ =	shalt  }
0x6e: {  	_ =	shalt  }
0x6f: {  	_ =	shalt  }
0x70: {  	_ =	shalt  }
0x71: {  	_ =	shalt  }
0x72: {  	_ =	shalt  }
0x73: {  	_ =	shalt  }
0x74: {  	_ =	shalt  }
0x75: {  	_ =	shalt  }
0x76: {  	_ =	shalt  }
0x77: {  	_ =	shalt  }
0x78: {  	_ =	shalt  }
0x79: {  	_ =	shalt  }
0x7a: {  	_ =	shalt  }
0x7b: {  	_ =	shalt  }
0x7c: {  	_ =	shalt  }
0x7d: {  	_ =	shalt  }
0x7e: {  	_ =	shalt  }
0x7f: {  	_ =	shalt  }
0x80: {  	_ =	shalt  }
0x81: {  	_ =	shalt  }
0x82: {  	_ =	shalt  }
0x83: {  	_ =	shalt  }
0x84: {  	_ =	shalt  }
0x85: {  	_ =	shalt  }
0x86: {  	_ =	shalt  }
0x87: {  	_ =	shalt  }
.Lfunc_end0:
.L_simem_size_0:
called_computation_lowered:
.L_overlay_start_0:
0x88: {  	s2 =	sld [smem:$0x3FD9]  }
0x89: {  	s3 =	sld [smem:$0x3FFE];
	_ =	sdelay $0x1  }
0x8a: {  	s1 =	srdreg.scid  }
0x8b: {  	s0 =	sand.u32 $0x1, s1  }
0x8c: {  	s18 =	sshll.u32 s0, $0xA;
	s2 =	sadd.s32 s3, s2  }
0x8d: {  	s2 =	sadd.s32 s2, s18  }
0x8e: {  	[smem:$0x3FC6] =	sst s2  }
0x8f: {  	_ = 	snop  }
0x90: {  	s2 =	sld [smem:$0x3FC9]  }
0x91: {  	s19 =	sld [smem:$0x3FC8]  }
0x92: {  	s4 =	sld [smem:$0x3FD0];
	(tm) =	ssettm $0x1  }
0x93: {  	s5 =	sld [smem:$0x3FFB];
	_ =	sdelay $0x3  }
0x94: {  	_ =	strace s5  }
0x95: {  	s5 =	sld [smem:$0x3FFC];
	_ =	sdelay $0x3  }
0x96: {  	_ =	strace s5  }
0x97: {  	s5 =	sld [smem:$0x3FFD];
	_ =	sdelay $0x3  }
0x98: {  	_ =	strace s5  }
0x99: {  	_ =	strace $0x8FFFFFFF  }
0x9a: {  	s20 =	sld [smem:$0x3FDB];
	_ =	sdelay $0x1  }
0x9b: {  	s6 =	simm.s32 $_scs_section_size  }
0x9c: {  	s7 =	simm.s32 $_size__tile_overlayer_lowered;
	s8 =	simm.s32 $_tile_overlayer_lowered  }
0x9d: {  	s23 =	simm.s32 $0x1BFF;
	s22 =	sshll.u32 s8, $0x1;
	s5 =	sadd.s32 s6, s20  }
0x9e: {  	s9 =	simm.s32 $0x0;
	s21 =	sshll.u32 s7, $0x1;
	s7 =	sadd.s32 s22, s5  }
0x9f: {  	[timem:s9], [sflag:s23] =	dma.local [hbm:s7], s21  }
0xa0: {  	_ =	swait.ge [sflag:s23], s21  }
0xa1: {  	s6 =	ssub.s32 $0x0, s21;
	[sflag:s23] =	ssyncset.done $0x0  }
0xa2: {  	[sflag:s23] =	ssyncadd.s32 s6;
	_ =	sdelay $0x1  }
0xa3: {  	s24 =	simm.s32 $0x1B8B  }
0xa4: {  	_ =	swait.ge [sflag:s24], $0x1  }
0xa5: {  	[sflag:s24] =	ssyncset.done $0x0  }
0xa6: {  	s25 =	simm.s32 $0x1B8E;
	[sflag:s24] =	ssyncadd.s32 $0xFFFFFFFF  }
0xa7: {  	s26 =	simm.s32 $execute0_lowered;
	[smem:$0x3FD2] =	sst s25  }
0xa8: {  	s6 =	sshll.u32 s26, $0x1;
	_ =	strace $0x80000046;
	[dreg:$0x1] =	wrdreg $0xFFFFFFFF  }
0xa9: {  	s28 =	simm.s32 $_size_execute0_lowered;
	s5 =	sadd.s32 s5, s6;
	[dreg:$0x0] =	wrdreg $0x0  }
0xaa: {  	s6 =	sshll.u32 s28, $0x1;
	[dreg:$0x2] =	wrdreg s5  }
0xab: {  	[dreg:$0x3] =	wrdreg s6  }
0xac: {  	[dreg:$0x4] =	wrdreg $0xC0  }
0xad: {  	_ =	task [dreg:s9], $0x5FFFF  }
0xae: {  	[dreg:$0x1] =	wrdreg $0xFFFFFFFF  }
0xaf: {  	[dreg:$0x0] =	wrdreg $0x60  }
0xb0: {  	[dreg:$0x2] =	wrdreg s2  }
0xb1: {  	[dreg:$0x3] =	wrdreg s19  }
0xb2: {  	[dreg:$0x4] =	wrdreg s4  }
0xb3: {  	[dreg:$0x5] =	wrdreg $0x9  }
0xb4: {  	_ =	task.clear_ibuf [dreg:s9], $0x6FFFF;
	_ =	strace $0x90000046  }
0xb5: {  	s29 =	simm.s32 $0x9;
	_ =	strace $0x80000048  }
0xb6: {  	_ =	swait.ge [sflag:s29], $0x1  }
0xb7: {  	[sflag:s29] =	ssyncadd.s32 $0xFFFFFFFF  }
0xb8: {  	_ =	strace $0x90000048  }
0xb9: {  	_ =	sfence  }
0xba: {  	s30 =	sld [smem:$0x0];
	_ =	sdelay $0x2  }
0xbb: {  	s31 =	sshll.u32 s1, $0xD;
	s1 =	sshrl.u32 s1, $0x2  }
0xbc: {  	s3 =	sand.u32 $0x4000, s31;
	s1 =	sadd.s32 s1, s30  }
0xbd: {  	s0 =	sor.u32 s3, s0;
	s1 =	sshll.u32 s1, $0x11  }
0xbe: {  	s0 =	sor.u32 s1, s0  }
0xbf: {  	s0 =	sadd.s32 $0x8F2B, s0  }
0xc0: {  	[sflag:s0] =	ssyncadd.remote.s32 $0x1  }
0xc1: {  	_ =	sfence.sel $0xFFFF  }
0xc2: {  	[dreg:$0x0] =	wrdreg $0xFFFFFFFF;
	(pc) =	sbr.abs _section_cstart, $3  }
0xc3: {  	[dreg:$0x1] =	wrdreg $0xFFFFFFFF  }
0xc4: {  	_ =	task.clear_ibuf [dreg:s9], $0x2FFFF;
	_ =	strace $0x9FFFFFFF  }
0xc5: {  	(tm) =	ssettm $0x7FFFFFFF  }
tec
execute0_lowered:
.L_overlay_start_1:
0x0: {  	(tag) =	ssettag $0x1  }
0x1: {  	s0 =	rddreg [dreg:$0x0]  }
0x2: {  	s2 =	rddreg [dreg:$0x1];
	s4 =	srdreg.scid  }
0x3: {  	s3 =	rddreg [dreg:$0x2];
	s6 =	stileid.u32;
	s4 =	sand.u32 $0x1, s4  }
0x4: {  	s6 =	sshll.u32 s6, $0xE;
	s5 =	ssub.s32 $0x2, s4;
	s4 =	sshll.u32 s4, $0xD  }
0x5: {  	s1 =	simm.s32 $0x0;
	s29 =	simm.s32 $0x2000;
	s4 =	sor.u32 s4, s6  }
0x6: {  	s30 =	simm.s32 $0x200000;
	[smem:$0x7FF] =	sst s1;
	s6 =	sadd.s32 s2, s4  }
0x7: {  	s31 =	simm.s32 $0x4000;
	s14 =	sadd.s32 s0, s4;
	[dreg:$0x4] =	wrdreg s6  }
0x8: {  	s12 =	sor.u32 $0x400, s4;
	s9 =	sadd.s32 s3, s4;
	[dreg:$0x6] =	wrdreg s14  }
0x9: {  	s7 =	sshrl.u32 s5, $0x1;
	s13 =	sadd.s32 s2, s12;
	[dreg:$0x9] =	wrdreg s9  }
0xa: {  	s15 =	sor.u32 $0x800, s4;
	s8 =	sadd.s32 s0, s12;
	[dreg:$0x5] =	wrdreg s13  }
0xb: {  	s5 =	ssub.s32 s5, s7;
	s16 =	sadd.s32 s2, s15;
	[dreg:$0x7] =	wrdreg s8  }
0xc: {  	s17 =	sor.u32 $0xC00, s4;
	s18 =	sadd.s32 s0, s15;
	[dreg:$0x8] =	wrdreg s16  }
0xd: {  	s21 =	sor.u32 $0x1000, s4;
	s19 =	sadd.s32 s2, s17;
	[dreg:$0xa] =	wrdreg s18  }
0xe: {  	s23 =	sor.u32 $0x1400, s4;
	s6 =	sadd.s32 s3, s12;
	[dreg:$0xb] =	wrdreg s19  }
0xf: {  	s26 =	sor.u32 $0x1800, s4;
	s20 =	sadd.s32 s0, s17;
	[dreg:$0xc] =	wrdreg s6  }
0x10: {  	s4 =	sor.u32 $0x1C00, s4;
	s22 =	sadd.s32 s2, s21;
	[dreg:$0xd] =	wrdreg s20  }
0x11: {  	s7 =	sadd.s32 s3, s15;
	s24 =	sadd.s32 s0, s21;
	[dreg:$0xe] =	wrdreg s22  }
0x12: {  	s25 =	sadd.s32 s2, s23;
	s28 =	smax.u32 s5, $0x1;
	[dreg:$0xf] =	wrdreg s7  }
0x13: {  	s5 =	simm.s32 $0x5;
	s9 =	simm.s32 $0x0;
	[dreg:$0x10] =	wrdreg s24  }
0x14: {  	[dreg:$0x11] =	wrdreg s25;
	s8 =	sadd.s32 s3, s17;
	s17 =	sadd.s32 s2, s26  }
0x15: {  	s18 =	sadd.s32 s3, s21;
	s19 =	sadd.s32 s2, s4;
	s21 =	sadd.s32 s0, s23  }
0x16: {  	s22 =	sadd.s32 s3, s23;
	s23 =	sadd.s32 s0, s26;
	s24 =	sadd.s32 s0, s4  }
0x17: {  	s25 =	sadd.s32 s3, s26;
	s26 =	sadd.s32 s3, s4;
	s20 =	simm.s32 $0xC000  }
0x18: {  	s0 =	simm.s32 $0x1;
	s2 =	simm.s32 $0x2;
	s3 =	simm.s32 $0x14000  }
0x19: {  	s4 =	simm.s32 $0x3;
	s6 =	simm.s32 $0x4;
	[dreg:$0x12] =	wrdreg s8  }
0x1a: {  	s7 =	simm.s32 $0x6;
	s8 =	simm.s32 $0x7;
	_ =	strace $0x80000047  }
.LBB2_1:
0x1b: {  	s10 =	rddreg [dreg:$0x4]  }
0x1c: {  	[tilespmem:s1], [sflag:$0x1] =	stream.linear.gather [hbm4b:s10+s1], $0x2000, $0x38;
	[tilespmem:$0x1C000] =	vst v63  }
0x1d: {  	s13 =	rddreg [dreg:$0x5]  }
0x1e: {  	[tilespmem:s29], [sflag:$0x1] =	stream.linear.gather [hbm4b:s13+s1], $0x2000, $0x38;
	[tilespmem:$0x1C000] =	vst v63  }
0x1f: {  	s14 =	rddreg [dreg:$0x6]  }
0x20: {  	[tilespmem:s31], [sflag:$0x2] =	stream.strided.gather [hbm4b:s14+s29], $0x8000, s30, s29, $0x38;
	[tilespmem:$0x1C000] =	vst v63  }
0x21: {  	s15 =	rddreg [dreg:$0x7]  }
0x22: {  	[tilespmem:s20], [sflag:$0x3] =	stream.strided.gather [hbm4b:s15+s29], $0x8000, s30, s29, $0x38;
	[tilespmem:$0x1C000] =	vst v63  }
0x23: {  	_ =	swait.ge [sflag:s0], $0x2000  }
0x24: {  	[sflag:s0] =	ssyncset.done $0x0  }
0x25: {  	[sflag:s0] =	ssyncadd.s32 $0xFFFFE000  }
0x26: {  	s16 =	sand.u32 $0x1C00, s1;
	_ =	swait.ge [sflag:s2], $0x8000  }
0x27: {  	s11 =	sor.u32 s16, s1;
	[sflag:s2] =	ssyncset.done $0x0  }
0x28: {  	s11 =	sor.u32 $0x70, s11;
	[sflag:s2] =	ssyncadd.s32 $0xFFFF8000  }
0x29: {  	v0 =	vld [tilespmem:s11+$0x0]  }
0x2a: {  	v1 =	vld [tilespmem:s11+$0x4000];
	_ =	sdelay $0x1  }
0x2b: {  	s12 =	sand.u32 $0x380, s1  }
0x2c: {  	s10 =	sor.u32 s12, s16  }
0x2d: {  	v4 =	vld [tilespmem:s10+$0x0]  }
0x2e: {  	v5 =	vld [tilespmem:s10+$0x4000];
	v1 =	vadd.f32 v1, v0  }
0x2f: {  	v6 =	vld [tilespmem:s10+$0x6000]  }
0x30: {  	v7 =	vld [tilespmem:s10+$0x8000];
	[tilespmem:s11+$0x4000] =	vst v1  }
0x31: {  	v1 =	vld [tilespmem:s10+$0xA070]  }
0x32: {  	v2 =	vld [tilespmem:s10+$0x6070]  }
0x33: {  	v3 =	vld [tilespmem:s10+$0x8070]  }
0x34: {  	v8 =	vld [tilespmem:s10+$0xA000]  }
0x35: {  	v9 =	vld [tilespmem:s10+$0x10]  }
0x36: {  	v10 =	vld [tilespmem:s10+$0x4010];
	v1 =	vadd.f32 v1, v0  }
0x37: {  	v11 =	vld [tilespmem:s10+$0x6010];
	v2 =	vadd.f32 v2, v0  }
0x38: {  	v63 =	vld [tilespmem:s10+$0x30];
	v0 =	vadd.f32 v3, v0;
	[tilespmem:s10+$0xA070] =	vst v1  }
0x39: {  	v3 =	vld [tilespmem:s10+$0xA010];
	[tilespmem:s10+$0x6070] =	vst v2;
	v2 =	vadd.f32 v5, v4  }
0x3a: {  	v1 =	vld [tilespmem:s10+$0x8010];
	[tilespmem:s10+$0x8070] =	vst v0;
	v0 =	vadd.f32 v6, v4  }
0x3b: {  	v5 =	vld [tilespmem:s10+$0x20];
	[tilespmem:s10+$0x4000] =	vst v2;
	v2 =	vadd.f32 v7, v4  }
0x3c: {  	v6 =	vld [tilespmem:s10+$0x4020];
	[tilespmem:s10+$0x6000] =	vst v0;
	v0 =	vadd.f32 v8, v4  }
0x3d: {  	v4 =	vld [tilespmem:s10+$0x6020];
	[tilespmem:s10+$0x8000] =	vst v2;
	v2 =	vadd.f32 v10, v9  }
0x3e: {  	v7 =	vld [tilespmem:s10+$0x8020];
	[tilespmem:s10+$0xA000] =	vst v0;
	v0 =	vadd.f32 v11, v9  }
0x3f: {  	v8 =	vld [tilespmem:s10+$0xA020];
	v1 =	vadd.f32 v1, v9;
	[tilespmem:s10+$0x4010] =	vst v2  }
0x40: {  	[tilespmem:s10+$0x6010] =	vst v0;
	v0 =	vadd.f32 v3, v9;
	v2 =	vld [tilespmem:s10+$0x4030]  }
0x41: {  	v3 =	vld [tilespmem:s10+$0x6030];
	[tilespmem:s10+$0x8010] =	vst v1;
	v1 =	vadd.f32 v6, v5  }
0x42: {  	v6 =	vld [tilespmem:s10+$0x8030];
	[tilespmem:s10+$0xA010] =	vst v0;
	v0 =	vadd.f32 v4, v5  }
0x43: {  	[tilespmem:s10+$0x4020] =	vst v1;
	v1 =	vadd.f32 v7, v5;
	v7 =	vld [tilespmem:s10+$0xA030]  }
0x44: {  	v4 =	vld [tilespmem:s10+$0x4040];
	v5 =	vadd.f32 v8, v5;
	[tilespmem:s10+$0x6020] =	vst v0  }
0x45: {  	v0 =	vld [tilespmem:s10+$0x40];
	[tilespmem:s10+$0x8020] =	vst v1;
	v1 =	vadd.f32 v2, v63  }
0x46: {  	[tilespmem:s10+$0xA020] =	vst v5;
	v3 =	vadd.f32 v3, v63;
	v2 =	vld [tilespmem:s10+$0x6040]  }
0x47: {  	v6 =	vadd.f32 v6, v63;
	[tilespmem:s10+$0x4030] =	vst v1;
	v1 =	vld [tilespmem:s10+$0x8040]  }
0x48: {  	s12 =	simm.s32 $0x400;
	s13 =	simm.s32 $0x0;
	s11 =	simm.s32 $0x0;
	[tilespmem:s10+$0x6030] =	vst v3;
	v3 =	vld [tilespmem:s10+$0xA040];
	v5 =	vadd.f32 v7, v63  }
.LBB2_2:
0x49: {  	s14 =	sand.u32 $0x1C00, s12;
	[tilespmem:s10+$0x8030] =	vst v6;
	v6 =	vld [tilespmem:s10+$0x50];
	s13 =	sadd.s32 $0x10, s13  }
0x4a: {  	s11 =	sadd.s32 $0x8, s11;
	s15 =	sor.u32 s14, s13;
	[tilespmem:s10+$0xA030] =	vst v5;
	v4 =	vadd.f32 v4, v0;
	v5 =	vld [tilespmem:s10+$0x4050]  }
0x4b: {  	p0 =	slt.u32 s11, $0x1F8;
	s15 =	sor.u32 $0x70, s15;
	v2 =	vadd.f32 v2, v0;
	v7 =	vld [tilespmem:s10+$0x6050]  }
0x4c: {  	v8 =	vld [tilespmem:s15+$0x0];
	[tilespmem:s10+$0x4040] =	vst v4;
	v1 =	vadd.f32 v1, v0  }
0x4d: {  	v4 =	vld [tilespmem:s15+$0x4000];
	[tilespmem:s10+$0x6040] =	vst v2;
	v0 =	vadd.f32 v3, v0  }
0x4e: {  	[tilespmem:s10+$0x8040] =	vst v1;
	v1 =	vld [tilespmem:s10+$0x8050]  }
0x4f: {  	[tilespmem:s10+$0xA040] =	vst v0;
	v0 =	vadd.f32 v5, v6;
	v2 =	vld [tilespmem:s10+$0xA050]  }
0x50: {  	v3 =	vadd.f32 v7, v6;
	v5 =	vld [tilespmem:s10+$0x60]  }
0x51: {  	[tilespmem:s10+$0x4050] =	vst v0;
	v0 =	vld [tilespmem:s10+$0x4060]  }
0x52: {  	v4 =	vadd.f32 v4, v8;
	[tilespmem:s10+$0x6050] =	vst v3;
	v3 =	vld [tilespmem:s10+$0x6060]  }
0x53: {  	s16 =	sand.u32 $0x380, s13;
	v1 =	vadd.f32 v1, v6;
	v7 =	vld [tilespmem:s10+$0x8060]  }
0x54: {  	s14 =	sor.u32 s16, s14;
	[tilespmem:s15+$0x4000] =	vst v4;
	v2 =	vadd.f32 v2, v6;
	v4 =	vld [tilespmem:s10+$0xA060]  }
0x55: {  	v6 =	vld [tilespmem:s14+$0xA070];
	[tilespmem:s10+$0x8050] =	vst v1  }
0x56: {  	v1 =	vld [tilespmem:s14+$0x6070];
	[tilespmem:s10+$0xA050] =	vst v2;
	v0 =	vadd.f32 v0, v5  }
0x57: {  	v2 =	vld [tilespmem:s14+$0x8070];
	v3 =	vadd.f32 v3, v5  }
0x58: {  	v9 =	vld [tilespmem:s14+$0x0];
	[tilespmem:s10+$0x4060] =	vst v0;
	v0 =	vadd.f32 v7, v5  }
0x59: {  	v7 =	vld [tilespmem:s14+$0x4000];
	[tilespmem:s10+$0x6060] =	vst v3;
	v3 =	vadd.f32 v4, v5  }
0x5a: {  	v4 =	vld [tilespmem:s14+$0x6000];
	v5 =	vadd.f32 v6, v8;
	[tilespmem:s10+$0x8060] =	vst v0  }
0x5b: {  	v0 =	vld [tilespmem:s14+$0x8000];
	v1 =	vadd.f32 v1, v8;
	[tilespmem:s10+$0xA060] =	vst v3;
	s10 =	smov.u32 s14  }
0x5c: {  	v3 =	vld [tilespmem:s10+$0xA000];
	v2 =	vadd.f32 v2, v8;
	[tilespmem:s10+$0xA070] =	vst v5  }
0x5d: {  	v5 =	vld [tilespmem:s10+$0x10];
	[tilespmem:s10+$0x6070] =	vst v1  }
0x5e: {  	v1 =	vadd.f32 v7, v9;
	v6 =	vld [tilespmem:s10+$0x4010];
	[tilespmem:s10+$0x8070] =	vst v2  }
0x5f: {  	v2 =	vadd.f32 v4, v9;
	v4 =	vld [tilespmem:s10+$0x6010]  }
0x60: {  	[tilespmem:s10+$0x4000] =	vst v1;
	v0 =	vadd.f32 v0, v9;
	v1 =	vld [tilespmem:s10+$0x8010]  }
0x61: {  	[tilespmem:s10+$0x6000] =	vst v2;
	v2 =	vadd.f32 v3, v9;
	v3 =	vld [tilespmem:s10+$0xA010]  }
0x62: {  	[tilespmem:s10+$0x8000] =	vst v0;
	v0 =	vld [tilespmem:s10+$0x20]  }
0x63: {  	[tilespmem:s10+$0xA000] =	vst v2;
	v2 =	vadd.f32 v6, v5;
	v6 =	vld [tilespmem:s10+$0x4020]  }
0x64: {  	v4 =	vadd.f32 v4, v5;
	v7 =	vld [tilespmem:s10+$0x6020]  }
0x65: {  	[tilespmem:s10+$0x4010] =	vst v2;
	v1 =	vadd.f32 v1, v5;
	v2 =	vld [tilespmem:s10+$0x8020]  }
0x66: {  	[tilespmem:s10+$0x6010] =	vst v4;
	v3 =	vadd.f32 v3, v5;
	v4 =	vld [tilespmem:s10+$0xA020]  }
0x67: {  	[tilespmem:s10+$0x8010] =	vst v1;
	v5 =	vld [tilespmem:s10+$0x30]  }
0x68: {  	[tilespmem:s10+$0xA010] =	vst v3;
	v1 =	vadd.f32 v6, v0;
	v3 =	vld [tilespmem:s10+$0x4030]  }
0x69: {  	v6 =	vadd.f32 v7, v0;
	v7 =	vld [tilespmem:s10+$0x6030]  }
0x6a: {  	[tilespmem:s10+$0x4020] =	vst v1;
	v1 =	vadd.f32 v2, v0;
	v8 =	vld [tilespmem:s10+$0x8030]  }
0x6b: {  	[tilespmem:s10+$0x6020] =	vst v6;
	v2 =	vadd.f32 v4, v0;
	v9 =	vld [tilespmem:s10+$0xA030]  }
.Ltmp0:
0x6c: {  	[tilespmem:s10+$0x8020] =	vst v1;
	v0 =	vld [tilespmem:s10+$0x40];
	(pc) =	sbr.rel @p0 .LBB2_2-.Ltmp0, $4  }
0x6d: {  	[tilespmem:s10+$0xA020] =	vst v2;
	v1 =	vadd.f32 v3, v5;
	v4 =	vld [tilespmem:s10+$0x4040]  }
0x6e: {  	v3 =	vadd.f32 v7, v5;
	v2 =	vld [tilespmem:s10+$0x6040]  }
0x6f: {  	[tilespmem:s10+$0x4030] =	vst v1;
	v6 =	vadd.f32 v8, v5;
	v1 =	vld [tilespmem:s10+$0x8040]  }
0x70: {  	s12 =	sadd.s32 $0x400, s12;
	[tilespmem:s10+$0x6030] =	vst v3;
	v5 =	vadd.f32 v9, v5;
	v3 =	vld [tilespmem:s10+$0xA040]  }
0x71: {  	v7 =	vld [tilespmem:s10+$0x50]  }
0x72: {  	v8 =	vld [tilespmem:s10+$0x4050]  }
0x73: {  	v9 =	vld [tilespmem:s10+$0x6050]  }
0x74: {  	[tilespmem:s10+$0x8030] =	vst v6;
	v6 =	vld [tilespmem:s10+$0x8050];
	v4 =	vadd.f32 v4, v0  }
0x75: {  	[tilespmem:s10+$0xA030] =	vst v5;
	v5 =	vld [tilespmem:s10+$0xA050];
	v2 =	vadd.f32 v2, v0  }
0x76: {  	[tilespmem:s10+$0x4040] =	vst v4;
	v1 =	vadd.f32 v1, v0;
	v4 =	vld [tilespmem:s10+$0x60]  }
0x77: {  	[tilespmem:s10+$0x6040] =	vst v2;
	v0 =	vadd.f32 v3, v0;
	v2 =	vld [tilespmem:s10+$0x4060]  }
0x78: {  	v3 =	vld [tilespmem:s10+$0x6060];
	[tilespmem:s10+$0x8040] =	vst v1;
	v1 =	vadd.f32 v8, v7  }
0x79: {  	v8 =	vld [tilespmem:s10+$0x8060];
	[tilespmem:s10+$0xA040] =	vst v0;
	v0 =	vadd.f32 v9, v7  }
0x7a: {  	[tilespmem:s10+$0x4050] =	vst v1;
	v1 =	vadd.f32 v6, v7;
	v6 =	vld [tilespmem:s10+$0xA060]  }
0x7b: {  	[tilespmem:s10+$0x6050] =	vst v0;
	v0 =	vadd.f32 v5, v7  }
0x7c: {  	[tilespmem:s10+$0x8050] =	vst v1;
	v1 =	vadd.f32 v2, v4  }
0x7d: {  	[tilespmem:s10+$0xA050] =	vst v0;
	v0 =	vadd.f32 v3, v4  }
0x7e: {  	[tilespmem:s10+$0x4060] =	vst v1;
	v1 =	vadd.f32 v8, v4  }
0x7f: {  	[tilespmem:s10+$0x6060] =	vst v0;
	v0 =	vadd.f32 v6, v4  }
0x80: {  	[tilespmem:s10+$0x8060] =	vst v1  }
0x81: {  	[tilespmem:s10+$0xA060] =	vst v0  }
0x82: {  	s11 =	simm.s32 $0x0;
	s10 =	rddreg [dreg:$0x8]  }
0x83: {  	[tilespmem:s11], [sflag:$0x1] =	stream.linear.gather [hbm4b:s10+s11], $0x2000, $0x38;
	[tilespmem:$0x1C000] =	vst v63  }
0x84: {  	s14 =	rddreg [dreg:$0x9]  }
0x85: {  	[hbm4b:s14+s29] =	stream.strided.scatter [tilespmem:s31], [sflag:$0x5], $0x8000, s30, s29, $0x38;
	[tilespmem:$0x1C000] =	vst v63  }
0x86: {  	s15 =	rddreg [dreg:$0xa]  }
0x87: {  	[tilespmem:s3], [sflag:$0x4] =	stream.strided.gather [hbm4b:s15+s29], $0x8000, s30, s29, $0x38;
	[tilespmem:$0x1C000] =	vst v63  }
0x88: {  	_ =	swait.ge [sflag:s0], $0x2000  }
0x89: {  	[sflag:s0] =	ssyncset.done $0x0  }
0x8a: {  	[sflag:s0] =	ssyncadd.s32 $0xFFFFE000  }
0x8b: {  	s16 =	sand.u32 $0x1C00, s11;
	_ =	swait.ge [sflag:s4], $0x8000  }
0x8c: {  	s12 =	sor.u32 s16, s11;
	[sflag:s4] =	ssyncset.done $0x0  }
0x8d: {  	s12 =	sor.u32 $0x70, s12;
	[sflag:s4] =	ssyncadd.s32 $0xFFFF8000  }
0x8e: {  	v0 =	vld [tilespmem:s12+$0x2000]  }
0x8f: {  	v1 =	vld [tilespmem:s12+$0xC000];
	_ =	sdelay $0x1  }
0x90: {  	s13 =	sand.u32 $0x380, s11  }
0x91: {  	s10 =	sor.u32 s13, s16  }
0x92: {  	v4 =	vld [tilespmem:s10+$0x2000]  }
0x93: {  	v5 =	vld [tilespmem:s10+$0xC000];
	v1 =	vadd.f32 v1, v0  }
0x94: {  	v6 =	vld [tilespmem:s10+$0xE000]  }
0x95: {  	v7 =	vld [tilespmem:s10+$0x10000];
	[tilespmem:s12+$0xC000] =	vst v1  }
0x96: {  	v1 =	vld [tilespmem:s10+$0x12070]  }
0x97: {  	v2 =	vld [tilespmem:s10+$0xE070]  }
0x98: {  	v3 =	vld [tilespmem:s10+$0x10070]  }
0x99: {  	v8 =	vld [tilespmem:s10+$0x12000]  }
0x9a: {  	v62 =	vld [tilespmem:s10+$0x2010]  }
0x9b: {  	v10 =	vld [tilespmem:s10+$0xC010];
	v1 =	vadd.f32 v1, v0  }
0x9c: {  	v11 =	vld [tilespmem:s10+$0xE010];
	v2 =	vadd.f32 v2, v0  }
0x9d: {  	v63 =	vld [tilespmem:s10+$0x2030];
	v0 =	vadd.f32 v3, v0;
	[tilespmem:s10+$0x12070] =	vst v1  }
0x9e: {  	v3 =	vld [tilespmem:s10+$0x12010];
	[tilespmem:s10+$0xE070] =	vst v2;
	v2 =	vadd.f32 v5, v4  }
0x9f: {  	v1 =	vld [tilespmem:s10+$0x10010];
	[tilespmem:s10+$0x10070] =	vst v0;
	v0 =	vadd.f32 v6, v4  }
0xa0: {  	v5 =	vld [tilespmem:s10+$0x2020];
	[tilespmem:s10+$0xC000] =	vst v2;
	v2 =	vadd.f32 v7, v4  }
0xa1: {  	v6 =	vld [tilespmem:s10+$0xC020];
	[tilespmem:s10+$0xE000] =	vst v0;
	v0 =	vadd.f32 v8, v4  }
0xa2: {  	v4 =	vld [tilespmem:s10+$0xE020];
	[tilespmem:s10+$0x10000] =	vst v2;
	v2 =	vadd.f32 v10, v62  }
0xa3: {  	v7 =	vld [tilespmem:s10+$0x10020];
	[tilespmem:s10+$0x12000] =	vst v0;
	v0 =	vadd.f32 v11, v62  }
0xa4: {  	v8 =	vld [tilespmem:s10+$0x12020];
	v1 =	vadd.f32 v1, v62;
	[tilespmem:s10+$0xC010] =	vst v2  }
0xa5: {  	[tilespmem:s10+$0xE010] =	vst v0;
	v0 =	vadd.f32 v3, v62;
	v2 =	vld [tilespmem:s10+$0xC030]  }
0xa6: {  	v3 =	vld [tilespmem:s10+$0xE030];
	[tilespmem:s10+$0x10010] =	vst v1;
	v1 =	vadd.f32 v6, v5  }
0xa7: {  	v6 =	vld [tilespmem:s10+$0x10030];
	[tilespmem:s10+$0x12010] =	vst v0;
	v0 =	vadd.f32 v4, v5  }
0xa8: {  	[tilespmem:s10+$0xC020] =	vst v1;
	v1 =	vadd.f32 v7, v5;
	v7 =	vld [tilespmem:s10+$0x12030]  }
0xa9: {  	v4 =	vld [tilespmem:s10+$0xC040];
	v5 =	vadd.f32 v8, v5;
	[tilespmem:s10+$0xE020] =	vst v0  }
0xaa: {  	v0 =	vld [tilespmem:s10+$0x2040];
	[tilespmem:s10+$0x10020] =	vst v1;
	v1 =	vadd.f32 v2, v63  }
0xab: {  	[tilespmem:s10+$0x12020] =	vst v5;
	v3 =	vadd.f32 v3, v63;
	v2 =	vld [tilespmem:s10+$0xE040]  }
0xac: {  	v6 =	vadd.f32 v6, v63;
	[tilespmem:s10+$0xC030] =	vst v1;
	v1 =	vld [tilespmem:s10+$0x10040]  }
0xad: {  	s13 =	simm.s32 $0x400;
	s12 =	simm.s32 $0x0;
	[tilespmem:s10+$0xE030] =	vst v3;
	v3 =	vld [tilespmem:s10+$0x12040];
	v5 =	vadd.f32 v7, v63  }
.LBB2_4:
0xae: {  	s14 =	sand.u32 $0x1C00, s13;
	[tilespmem:s10+$0x10030] =	vst v6;
	v6 =	vld [tilespmem:s10+$0x2050];
	s11 =	sadd.s32 $0x10, s11  }
0xaf: {  	s12 =	sadd.s32 $0x8, s12;
	s15 =	sor.u32 s14, s11;
	[tilespmem:s10+$0x12030] =	vst v5;
	v4 =	vadd.f32 v4, v0;
	v5 =	vld [tilespmem:s10+$0xC050]  }
0xb0: {  	p0 =	slt.u32 s12, $0x1F8;
	s15 =	sor.u32 $0x70, s15;
	v2 =	vadd.f32 v2, v0;
	v7 =	vld [tilespmem:s10+$0xE050]  }
0xb1: {  	v8 =	vld [tilespmem:s15+$0x2000];
	[tilespmem:s10+$0xC040] =	vst v4;
	v1 =	vadd.f32 v1, v0  }
0xb2: {  	v4 =	vld [tilespmem:s15+$0xC000];
	[tilespmem:s10+$0xE040] =	vst v2;
	v0 =	vadd.f32 v3, v0  }
0xb3: {  	[tilespmem:s10+$0x10040] =	vst v1;
	v1 =	vld [tilespmem:s10+$0x10050]  }
0xb4: {  	[tilespmem:s10+$0x12040] =	vst v0;
	v0 =	vadd.f32 v5, v6;
	v2 =	vld [tilespmem:s10+$0x12050]  }
0xb5: {  	v3 =	vadd.f32 v7, v6;
	v5 =	vld [tilespmem:s10+$0x2060]  }
0xb6: {  	[tilespmem:s10+$0xC050] =	vst v0;
	v0 =	vld [tilespmem:s10+$0xC060]  }
0xb7: {  	v4 =	vadd.f32 v4, v8;
	[tilespmem:s10+$0xE050] =	vst v3;
	v3 =	vld [tilespmem:s10+$0xE060]  }
0xb8: {  	s16 =	sand.u32 $0x380, s11;
	v1 =	vadd.f32 v1, v6;
	v7 =	vld [tilespmem:s10+$0x10060]  }
0xb9: {  	s14 =	sor.u32 s16, s14;
	[tilespmem:s15+$0xC000] =	vst v4;
	v2 =	vadd.f32 v2, v6;
	v4 =	vld [tilespmem:s10+$0x12060]  }
0xba: {  	v6 =	vld [tilespmem:s14+$0x12070];
	[tilespmem:s10+$0x10050] =	vst v1  }
0xbb: {  	v1 =	vld [tilespmem:s14+$0xE070];
	[tilespmem:s10+$0x12050] =	vst v2;
	v0 =	vadd.f32 v0, v5  }
0xbc: {  	v2 =	vld [tilespmem:s14+$0x10070];
	v3 =	vadd.f32 v3, v5  }
0xbd: {  	v9 =	vld [tilespmem:s14+$0x2000];
	[tilespmem:s10+$0xC060] =	vst v0;
	v0 =	vadd.f32 v7, v5  }
0xbe: {  	v7 =	vld [tilespmem:s14+$0xC000];
	[tilespmem:s10+$0xE060] =	vst v3;
	v3 =	vadd.f32 v4, v5  }
0xbf: {  	v4 =	vld [tilespmem:s14+$0xE000];
	v5 =	vadd.f32 v6, v8;
	[tilespmem:s10+$0x10060] =	vst v0  }
0xc0: {  	v0 =	vld [tilespmem:s14+$0x10000];
	v1 =	vadd.f32 v1, v8;
	[tilespmem:s10+$0x12060] =	vst v3;
	s10 =	smov.u32 s14  }
0xc1: {  	v3 =	vld [tilespmem:s10+$0x12000];
	v2 =	vadd.f32 v2, v8;
	[tilespmem:s10+$0x12070] =	vst v5  }
0xc2: {  	v5 =	vld [tilespmem:s10+$0x2010];
	[tilespmem:s10+$0xE070] =	vst v1  }
0xc3: {  	v1 =	vadd.f32 v7, v9;
	v6 =	vld [tilespmem:s10+$0xC010];
	[tilespmem:s10+$0x10070] =	vst v2  }
0xc4: {  	v2 =	vadd.f32 v4, v9;
	v4 =	vld [tilespmem:s10+$0xE010]  }
0xc5: {  	[tilespmem:s10+$0xC000] =	vst v1;
	v0 =	vadd.f32 v0, v9;
	v1 =	vld [tilespmem:s10+$0x10010]  }
0xc6: {  	[tilespmem:s10+$0xE000] =	vst v2;
	v2 =	vadd.f32 v3, v9;
	v3 =	vld [tilespmem:s10+$0x12010]  }
0xc7: {  	[tilespmem:s10+$0x10000] =	vst v0;
	v0 =	vld [tilespmem:s10+$0x2020]  }
0xc8: {  	[tilespmem:s10+$0x12000] =	vst v2;
	v2 =	vadd.f32 v6, v5;
	v6 =	vld [tilespmem:s10+$0xC020]  }
0xc9: {  	v4 =	vadd.f32 v4, v5;
	v7 =	vld [tilespmem:s10+$0xE020]  }
0xca: {  	[tilespmem:s10+$0xC010] =	vst v2;
	v1 =	vadd.f32 v1, v5;
	v2 =	vld [tilespmem:s10+$0x10020]  }
0xcb: {  	[tilespmem:s10+$0xE010] =	vst v4;
	v3 =	vadd.f32 v3, v5;
	v4 =	vld [tilespmem:s10+$0x12020]  }
0xcc: {  	[tilespmem:s10+$0x10010] =	vst v1;
	v5 =	vld [tilespmem:s10+$0x2030]  }
0xcd: {  	[tilespmem:s10+$0x12010] =	vst v3;
	v1 =	vadd.f32 v6, v0;
	v3 =	vld [tilespmem:s10+$0xC030]  }
0xce: {  	v6 =	vadd.f32 v7, v0;
	v7 =	vld [tilespmem:s10+$0xE030]  }
0xcf: {  	[tilespmem:s10+$0xC020] =	vst v1;
	v1 =	vadd.f32 v2, v0;
	v8 =	vld [tilespmem:s10+$0x10030]  }
0xd0: {  	[tilespmem:s10+$0xE020] =	vst v6;
	v2 =	vadd.f32 v4, v0;
	v9 =	vld [tilespmem:s10+$0x12030]  }
.Ltmp1:
0xd1: {  	[tilespmem:s10+$0x10020] =	vst v1;
	v0 =	vld [tilespmem:s10+$0x2040];
	(pc) =	sbr.rel @p0 .LBB2_4-.Ltmp1, $4  }
0xd2: {  	[tilespmem:s10+$0x12020] =	vst v2;
	v1 =	vadd.f32 v3, v5;
	v4 =	vld [tilespmem:s10+$0xC040]  }
0xd3: {  	v3 =	vadd.f32 v7, v5;
	v2 =	vld [tilespmem:s10+$0xE040]  }
0xd4: {  	[tilespmem:s10+$0xC030] =	vst v1;
	v6 =	vadd.f32 v8, v5;
	v1 =	vld [tilespmem:s10+$0x10040]  }
0xd5: {  	s13 =	sadd.s32 $0x400, s13;
	[tilespmem:s10+$0xE030] =	vst v3;
	v5 =	vadd.f32 v9, v5;
	v3 =	vld [tilespmem:s10+$0x12040]  }
0xd6: {  	v7 =	vld [tilespmem:s10+$0x2050]  }
0xd7: {  	v8 =	vld [tilespmem:s10+$0xC050]  }
0xd8: {  	v9 =	vld [tilespmem:s10+$0xE050]  }
0xd9: {  	[tilespmem:s10+$0x10030] =	vst v6;
	v6 =	vld [tilespmem:s10+$0x10050];
	v4 =	vadd.f32 v4, v0  }
0xda: {  	[tilespmem:s10+$0x12030] =	vst v5;
	v5 =	vld [tilespmem:s10+$0x12050];
	v2 =	vadd.f32 v2, v0  }
0xdb: {  	[tilespmem:s10+$0xC040] =	vst v4;
	v1 =	vadd.f32 v1, v0;
	v4 =	vld [tilespmem:s10+$0x2060]  }
0xdc: {  	[tilespmem:s10+$0xE040] =	vst v2;
	v0 =	vadd.f32 v3, v0;
	v2 =	vld [tilespmem:s10+$0xC060]  }
0xdd: {  	v3 =	vld [tilespmem:s10+$0xE060];
	[tilespmem:s10+$0x10040] =	vst v1;
	v1 =	vadd.f32 v8, v7  }
0xde: {  	v8 =	vld [tilespmem:s10+$0x10060];
	[tilespmem:s10+$0x12040] =	vst v0;
	v0 =	vadd.f32 v9, v7  }
0xdf: {  	[tilespmem:s10+$0xC050] =	vst v1;
	v1 =	vadd.f32 v6, v7;
	v6 =	vld [tilespmem:s10+$0x12060]  }
0xe0: {  	[tilespmem:s10+$0xE050] =	vst v0;
	v0 =	vadd.f32 v5, v7  }
0xe1: {  	[tilespmem:s10+$0x10050] =	vst v1;
	v1 =	vadd.f32 v2, v4  }
0xe2: {  	[tilespmem:s10+$0x12050] =	vst v0;
	v0 =	vadd.f32 v3, v4  }
0xe3: {  	[tilespmem:s10+$0xC060] =	vst v1;
	v1 =	vadd.f32 v8, v4  }
0xe4: {  	[tilespmem:s10+$0xE060] =	vst v0;
	v0 =	vadd.f32 v6, v4  }
0xe5: {  	[tilespmem:s10+$0x10060] =	vst v1  }
0xe6: {  	[tilespmem:s10+$0x12060] =	vst v0  }
0xe7: {  	s11 =	simm.s32 $0x0;
	s10 =	rddreg [dreg:$0xb]  }
0xe8: {  	[tilespmem:s29], [sflag:$0x1] =	stream.linear.gather [hbm4b:s10+s11], $0x2000, $0x38;
	[tilespmem:$0x1C000] =	vst v63  }
0xe9: {  	s14 =	rddreg [dreg:$0xc]  }
0xea: {  	[hbm4b:s14+s29] =	stream.strided.scatter [tilespmem:s20], [sflag:$0x6], $0x8000, s30, s29, $0x38;
	[tilespmem:$0x1C000] =	vst v63  }
0xeb: {  	_ =	swait.ge [sflag:s5], $0x8000  }
0xec: {  	[sflag:s5] =	ssyncset.done $0x0  }
0xed: {  	s15 =	rddreg [dreg:$0xd];
	[sflag:s5] =	ssyncadd.s32 $0xFFFF8000  }
0xee: {  	[tilespmem:s31], [sflag:$0x2] =	stream.strided.gather [hbm4b:s15+s29], $0x8000, s30, s29, $0x38;
	[tilespmem:$0x1C000] =	vst v63  }
0xef: {  	_ =	swait.ge [sflag:s0], $0x2000  }
0xf0: {  	[sflag:s0] =	ssyncset.done $0x0  }
0xf1: {  	[sflag:s0] =	ssyncadd.s32 $0xFFFFE000  }
0xf2: {  	s16 =	sand.u32 $0x1C00, s11;
	_ =	swait.ge [sflag:s6], $0x8000  }
0xf3: {  	s12 =	sor.u32 s16, s11;
	[sflag:s6] =	ssyncset.done $0x0  }
0xf4: {  	s12 =	sor.u32 $0x70, s12;
	[sflag:s6] =	ssyncadd.s32 $0xFFFF8000  }
0xf5: {  	v0 =	vld [tilespmem:s12+$0x0]  }
0xf6: {  	v1 =	vld [tilespmem:s12+$0x14000];
	_ =	sdelay $0x1  }
0xf7: {  	s13 =	sand.u32 $0x380, s11  }
0xf8: {  	s10 =	sor.u32 s13, s16  }
0xf9: {  	v4 =	vld [tilespmem:s10+$0x0]  }
0xfa: {  	v5 =	vld [tilespmem:s10+$0x14000];
	v1 =	vadd.f32 v1, v0  }
0xfb: {  	v6 =	vld [tilespmem:s10+$0x16000]  }
0xfc: {  	v7 =	vld [tilespmem:s10+$0x18000];
	[tilespmem:s12+$0x14000] =	vst v1  }
0xfd: {  	v1 =	vld [tilespmem:s10+$0x1A070]  }
0xfe: {  	v2 =	vld [tilespmem:s10+$0x16070]  }
0xff: {  	v3 =	vld [tilespmem:s10+$0x18070]  }
0x100: {  	v8 =	vld [tilespmem:s10+$0x1A000]  }
0x101: {  	v62 =	vld [tilespmem:s10+$0x10]  }
0x102: {  	v10 =	vld [tilespmem:s10+$0x14010];
	v1 =	vadd.f32 v1, v0  }
0x103: {  	v11 =	vld [tilespmem:s10+$0x16010];
	v2 =	vadd.f32 v2, v0  }
0x104: {  	v63 =	vld [tilespmem:s10+$0x30];
	v0 =	vadd.f32 v3, v0;
	[tilespmem:s10+$0x1A070] =	vst v1  }
0x105: {  	v3 =	vld [tilespmem:s10+$0x1A010];
	[tilespmem:s10+$0x16070] =	vst v2;
	v2 =	vadd.f32 v5, v4  }
0x106: {  	v1 =	vld [tilespmem:s10+$0x18010];
	[tilespmem:s10+$0x18070] =	vst v0;
	v0 =	vadd.f32 v6, v4  }
0x107: {  	v5 =	vld [tilespmem:s10+$0x20];
	[tilespmem:s10+$0x14000] =	vst v2;
	v2 =	vadd.f32 v7, v4  }
0x108: {  	v6 =	vld [tilespmem:s10+$0x14020];
	[tilespmem:s10+$0x16000] =	vst v0;
	v0 =	vadd.f32 v8, v4  }
0x109: {  	v4 =	vld [tilespmem:s10+$0x16020];
	[tilespmem:s10+$0x18000] =	vst v2;
	v2 =	vadd.f32 v10, v62  }
0x10a: {  	v7 =	vld [tilespmem:s10+$0x18020];
	[tilespmem:s10+$0x1A000] =	vst v0;
	v0 =	vadd.f32 v11, v62  }
0x10b: {  	v8 =	vld [tilespmem:s10+$0x1A020];
	v1 =	vadd.f32 v1, v62;
	[tilespmem:s10+$0x14010] =	vst v2  }
0x10c: {  	[tilespmem:s10+$0x16010] =	vst v0;
	v0 =	vadd.f32 v3, v62;
	v2 =	vld [tilespmem:s10+$0x14030]  }
0x10d: {  	v3 =	vld [tilespmem:s10+$0x16030];
	[tilespmem:s10+$0x18010] =	vst v1;
	v1 =	vadd.f32 v6, v5  }
0x10e: {  	v6 =	vld [tilespmem:s10+$0x18030];
	[tilespmem:s10+$0x1A010] =	vst v0;
	v0 =	vadd.f32 v4, v5  }
0x10f: {  	[tilespmem:s10+$0x14020] =	vst v1;
	v1 =	vadd.f32 v7, v5;
	v7 =	vld [tilespmem:s10+$0x1A030]  }
0x110: {  	v4 =	vld [tilespmem:s10+$0x14040];
	v5 =	vadd.f32 v8, v5;
	[tilespmem:s10+$0x16020] =	vst v0  }
0x111: {  	v0 =	vld [tilespmem:s10+$0x40];
	[tilespmem:s10+$0x18020] =	vst v1;
	v1 =	vadd.f32 v2, v63  }
0x112: {  	[tilespmem:s10+$0x1A020] =	vst v5;
	v3 =	vadd.f32 v3, v63;
	v2 =	vld [tilespmem:s10+$0x16040]  }
0x113: {  	v6 =	vadd.f32 v6, v63;
	[tilespmem:s10+$0x14030] =	vst v1;
	v1 =	vld [tilespmem:s10+$0x18040]  }
0x114: {  	s13 =	simm.s32 $0x400;
	s12 =	simm.s32 $0x0;
	[tilespmem:s10+$0x16030] =	vst v3;
	v3 =	vld [tilespmem:s10+$0x1A040];
	v5 =	vadd.f32 v7, v63  }
.LBB2_6:
0x115: {  	s14 =	sand.u32 $0x1C00, s13;
	[tilespmem:s10+$0x18030] =	vst v6;
	v6 =	vld [tilespmem:s10+$0x50];
	s11 =	sadd.s32 $0x10, s11  }
0x116: {  	s12 =	sadd.s32 $0x8, s12;
	s15 =	sor.u32 s14, s11;
	[tilespmem:s10+$0x1A030] =	vst v5;
	v4 =	vadd.f32 v4, v0;
	v5 =	vld [tilespmem:s10+$0x14050]  }
0x117: {  	p0 =	slt.u32 s12, $0x1F8;
	s15 =	sor.u32 $0x70, s15;
	v2 =	vadd.f32 v2, v0;
	v7 =	vld [tilespmem:s10+$0x16050]  }
0x118: {  	v8 =	vld [tilespmem:s15+$0x0];
	[tilespmem:s10+$0x14040] =	vst v4;
	v1 =	vadd.f32 v1, v0  }
0x119: {  	v4 =	vld [tilespmem:s15+$0x14000];
	[tilespmem:s10+$0x16040] =	vst v2;
	v0 =	vadd.f32 v3, v0  }
0x11a: {  	[tilespmem:s10+$0x18040] =	vst v1;
	v1 =	vld [tilespmem:s10+$0x18050]  }
0x11b: {  	[tilespmem:s10+$0x1A040] =	vst v0;
	v0 =	vadd.f32 v5, v6;
	v2 =	vld [tilespmem:s10+$0x1A050]  }
0x11c: {  	v3 =	vadd.f32 v7, v6;
	v5 =	vld [tilespmem:s10+$0x60]  }
0x11d: {  	[tilespmem:s10+$0x14050] =	vst v0;
	v0 =	vld [tilespmem:s10+$0x14060]  }
0x11e: {  	v4 =	vadd.f32 v4, v8;
	[tilespmem:s10+$0x16050] =	vst v3;
	v3 =	vld [tilespmem:s10+$0x16060]  }
0x11f: {  	s16 =	sand.u32 $0x380, s11;
	v1 =	vadd.f32 v1, v6;
	v7 =	vld [tilespmem:s10+$0x18060]  }
0x120: {  	s14 =	sor.u32 s16, s14;
	[tilespmem:s15+$0x14000] =	vst v4;
	v2 =	vadd.f32 v2, v6;
	v4 =	vld [tilespmem:s10+$0x1A060]  }
0x121: {  	v6 =	vld [tilespmem:s14+$0x1A070];
	[tilespmem:s10+$0x18050] =	vst v1  }
0x122: {  	v1 =	vld [tilespmem:s14+$0x16070];
	[tilespmem:s10+$0x1A050] =	vst v2;
	v0 =	vadd.f32 v0, v5  }
0x123: {  	v2 =	vld [tilespmem:s14+$0x18070];
	v3 =	vadd.f32 v3, v5  }
0x124: {  	v9 =	vld [tilespmem:s14+$0x0];
	[tilespmem:s10+$0x14060] =	vst v0;
	v0 =	vadd.f32 v7, v5  }
0x125: {  	v7 =	vld [tilespmem:s14+$0x14000];
	[tilespmem:s10+$0x16060] =	vst v3;
	v3 =	vadd.f32 v4, v5  }
0x126: {  	v4 =	vld [tilespmem:s14+$0x16000];
	v5 =	vadd.f32 v6, v8;
	[tilespmem:s10+$0x18060] =	vst v0  }
0x127: {  	v0 =	vld [tilespmem:s14+$0x18000];
	v1 =	vadd.f32 v1, v8;
	[tilespmem:s10+$0x1A060] =	vst v3;
	s10 =	smov.u32 s14  }
0x128: {  	v3 =	vld [tilespmem:s10+$0x1A000];
	v2 =	vadd.f32 v2, v8;
	[tilespmem:s10+$0x1A070] =	vst v5  }
0x129: {  	v5 =	vld [tilespmem:s10+$0x10];
	[tilespmem:s10+$0x16070] =	vst v1  }
0x12a: {  	v1 =	vadd.f32 v7, v9;
	v6 =	vld [tilespmem:s10+$0x14010];
	[tilespmem:s10+$0x18070] =	vst v2  }
0x12b: {  	v2 =	vadd.f32 v4, v9;
	v4 =	vld [tilespmem:s10+$0x16010]  }
0x12c: {  	[tilespmem:s10+$0x14000] =	vst v1;
	v0 =	vadd.f32 v0, v9;
	v1 =	vld [tilespmem:s10+$0x18010]  }
0x12d: {  	[tilespmem:s10+$0x16000] =	vst v2;
	v2 =	vadd.f32 v3, v9;
	v3 =	vld [tilespmem:s10+$0x1A010]  }
0x12e: {  	[tilespmem:s10+$0x18000] =	vst v0;
	v0 =	vld [tilespmem:s10+$0x20]  }
0x12f: {  	[tilespmem:s10+$0x1A000] =	vst v2;
	v2 =	vadd.f32 v6, v5;
	v6 =	vld [tilespmem:s10+$0x14020]  }
0x130: {  	v4 =	vadd.f32 v4, v5;
	v7 =	vld [tilespmem:s10+$0x16020]  }
0x131: {  	[tilespmem:s10+$0x14010] =	vst v2;
	v1 =	vadd.f32 v1, v5;
	v2 =	vld [tilespmem:s10+$0x18020]  }
0x132: {  	[tilespmem:s10+$0x16010] =	vst v4;
	v3 =	vadd.f32 v3, v5;
	v4 =	vld [tilespmem:s10+$0x1A020]  }
0x133: {  	[tilespmem:s10+$0x18010] =	vst v1;
	v5 =	vld [tilespmem:s10+$0x30]  }
0x134: {  	[tilespmem:s10+$0x1A010] =	vst v3;
	v1 =	vadd.f32 v6, v0;
	v3 =	vld [tilespmem:s10+$0x14030]  }
0x135: {  	v6 =	vadd.f32 v7, v0;
	v7 =	vld [tilespmem:s10+$0x16030]  }
0x136: {  	[tilespmem:s10+$0x14020] =	vst v1;
	v1 =	vadd.f32 v2, v0;
	v8 =	vld [tilespmem:s10+$0x18030]  }
0x137: {  	[tilespmem:s10+$0x16020] =	vst v6;
	v2 =	vadd.f32 v4, v0;
	v9 =	vld [tilespmem:s10+$0x1A030]  }
.Ltmp2:
0x138: {  	[tilespmem:s10+$0x18020] =	vst v1;
	v0 =	vld [tilespmem:s10+$0x40];
	(pc) =	sbr.rel @p0 .LBB2_6-.Ltmp2, $4  }
0x139: {  	[tilespmem:s10+$0x1A020] =	vst v2;
	v1 =	vadd.f32 v3, v5;
	v4 =	vld [tilespmem:s10+$0x14040]  }
0x13a: {  	v3 =	vadd.f32 v7, v5;
	v2 =	vld [tilespmem:s10+$0x16040]  }
0x13b: {  	[tilespmem:s10+$0x14030] =	vst v1;
	v6 =	vadd.f32 v8, v5;
	v1 =	vld [tilespmem:s10+$0x18040]  }
0x13c: {  	s13 =	sadd.s32 $0x400, s13;
	[tilespmem:s10+$0x16030] =	vst v3;
	v5 =	vadd.f32 v9, v5;
	v3 =	vld [tilespmem:s10+$0x1A040]  }
0x13d: {  	v7 =	vld [tilespmem:s10+$0x50]  }
0x13e: {  	v8 =	vld [tilespmem:s10+$0x14050]  }
0x13f: {  	v9 =	vld [tilespmem:s10+$0x16050]  }
0x140: {  	[tilespmem:s10+$0x18030] =	vst v6;
	v6 =	vld [tilespmem:s10+$0x18050];
	v4 =	vadd.f32 v4, v0  }
0x141: {  	[tilespmem:s10+$0x1A030] =	vst v5;
	v5 =	vld [tilespmem:s10+$0x1A050];
	v2 =	vadd.f32 v2, v0  }
0x142: {  	[tilespmem:s10+$0x14040] =	vst v4;
	v1 =	vadd.f32 v1, v0;
	v4 =	vld [tilespmem:s10+$0x60]  }
0x143: {  	[tilespmem:s10+$0x16040] =	vst v2;
	v0 =	vadd.f32 v3, v0;
	v2 =	vld [tilespmem:s10+$0x14060]  }
0x144: {  	v3 =	vld [tilespmem:s10+$0x16060];
	[tilespmem:s10+$0x18040] =	vst v1;
	v1 =	vadd.f32 v8, v7  }
0x145: {  	v8 =	vld [tilespmem:s10+$0x18060];
	[tilespmem:s10+$0x1A040] =	vst v0;
	v0 =	vadd.f32 v9, v7  }
0x146: {  	[tilespmem:s10+$0x14050] =	vst v1;
	v1 =	vadd.f32 v6, v7;
	v6 =	vld [tilespmem:s10+$0x1A060]  }
0x147: {  	[tilespmem:s10+$0x16050] =	vst v0;
	v0 =	vadd.f32 v5, v7  }
0x148: {  	[tilespmem:s10+$0x18050] =	vst v1;
	v1 =	vadd.f32 v2, v4  }
0x149: {  	[tilespmem:s10+$0x1A050] =	vst v0;
	v0 =	vadd.f32 v3, v4  }
0x14a: {  	[tilespmem:s10+$0x14060] =	vst v1;
	v1 =	vadd.f32 v8, v4  }
0x14b: {  	[tilespmem:s10+$0x16060] =	vst v0;
	v0 =	vadd.f32 v6, v4  }
0x14c: {  	[tilespmem:s10+$0x18060] =	vst v1  }
0x14d: {  	[tilespmem:s10+$0x1A060] =	vst v0  }
0x14e: {  	s11 =	simm.s32 $0x0;
	s10 =	rddreg [dreg:$0xe]  }
0x14f: {  	[tilespmem:s11], [sflag:$0x1] =	stream.linear.gather [hbm4b:s10+s11], $0x2000, $0x38;
	[tilespmem:$0x1C000] =	vst v63  }
0x150: {  	s14 =	rddreg [dreg:$0xf]  }
0x151: {  	[hbm4b:s14+s29] =	stream.strided.scatter [tilespmem:s3], [sflag:$0x7], $0x8000, s30, s29, $0x38;
	[tilespmem:$0x1C000] =	vst v63  }
0x152: {  	_ =	swait.ge [sflag:s7], $0x8000  }
0x153: {  	[sflag:s7] =	ssyncset.done $0x0  }
0x154: {  	s15 =	rddreg [dreg:$0x10];
	[sflag:s7] =	ssyncadd.s32 $0xFFFF8000  }
0x155: {  	[tilespmem:s20], [sflag:$0x3] =	stream.strided.gather [hbm4b:s15+s29], $0x8000, s30, s29, $0x38;
	[tilespmem:$0x1C000] =	vst v63  }
0x156: {  	_ =	swait.ge [sflag:s0], $0x2000  }
0x157: {  	[sflag:s0] =	ssyncset.done $0x0  }
0x158: {  	[sflag:s0] =	ssyncadd.s32 $0xFFFFE000  }
0x159: {  	s16 =	sand.u32 $0x1C00, s11;
	_ =	swait.ge [sflag:s2], $0x8000  }
0x15a: {  	s12 =	sor.u32 s16, s11;
	[sflag:s2] =	ssyncset.done $0x0  }
0x15b: {  	s12 =	sor.u32 $0x70, s12;
	[sflag:s2] =	ssyncadd.s32 $0xFFFF8000  }
0x15c: {  	v0 =	vld [tilespmem:s12+$0x2000]  }
0x15d: {  	v1 =	vld [tilespmem:s12+$0x4000];
	_ =	sdelay $0x1  }
0x15e: {  	s13 =	sand.u32 $0x380, s11  }
0x15f: {  	s10 =	sor.u32 s13, s16  }
0x160: {  	v4 =	vld [tilespmem:s10+$0x2000]  }
0x161: {  	v5 =	vld [tilespmem:s10+$0x4000];
	v1 =	vadd.f32 v1, v0  }
0x162: {  	v6 =	vld [tilespmem:s10+$0x6000]  }
0x163: {  	v7 =	vld [tilespmem:s10+$0x8000];
	[tilespmem:s12+$0x4000] =	vst v1  }
0x164: {  	v1 =	vld [tilespmem:s10+$0xA070]  }
0x165: {  	v2 =	vld [tilespmem:s10+$0x6070]  }
0x166: {  	v3 =	vld [tilespmem:s10+$0x8070]  }
0x167: {  	v8 =	vld [tilespmem:s10+$0xA000]  }
0x168: {  	v62 =	vld [tilespmem:s10+$0x2010]  }
0x169: {  	v10 =	vld [tilespmem:s10+$0x4010];
	v1 =	vadd.f32 v1, v0  }
0x16a: {  	v11 =	vld [tilespmem:s10+$0x6010];
	v2 =	vadd.f32 v2, v0  }
0x16b: {  	v63 =	vld [tilespmem:s10+$0x2030];
	v0 =	vadd.f32 v3, v0;
	[tilespmem:s10+$0xA070] =	vst v1  }
0x16c: {  	v3 =	vld [tilespmem:s10+$0xA010];
	[tilespmem:s10+$0x6070] =	vst v2;
	v2 =	vadd.f32 v5, v4  }
0x16d: {  	v1 =	vld [tilespmem:s10+$0x8010];
	[tilespmem:s10+$0x8070] =	vst v0;
	v0 =	vadd.f32 v6, v4  }
0x16e: {  	v5 =	vld [tilespmem:s10+$0x2020];
	[tilespmem:s10+$0x4000] =	vst v2;
	v2 =	vadd.f32 v7, v4  }
0x16f: {  	v6 =	vld [tilespmem:s10+$0x4020];
	[tilespmem:s10+$0x6000] =	vst v0;
	v0 =	vadd.f32 v8, v4  }
0x170: {  	v4 =	vld [tilespmem:s10+$0x6020];
	[tilespmem:s10+$0x8000] =	vst v2;
	v2 =	vadd.f32 v10, v62  }
0x171: {  	v7 =	vld [tilespmem:s10+$0x8020];
	[tilespmem:s10+$0xA000] =	vst v0;
	v0 =	vadd.f32 v11, v62  }
0x172: {  	v8 =	vld [tilespmem:s10+$0xA020];
	v1 =	vadd.f32 v1, v62;
	[tilespmem:s10+$0x4010] =	vst v2  }
0x173: {  	[tilespmem:s10+$0x6010] =	vst v0;
	v0 =	vadd.f32 v3, v62;
	v2 =	vld [tilespmem:s10+$0x4030]  }
0x174: {  	v3 =	vld [tilespmem:s10+$0x6030];
	[tilespmem:s10+$0x8010] =	vst v1;
	v1 =	vadd.f32 v6, v5  }
0x175: {  	v6 =	vld [tilespmem:s10+$0x8030];
	[tilespmem:s10+$0xA010] =	vst v0;
	v0 =	vadd.f32 v4, v5  }
0x176: {  	[tilespmem:s10+$0x4020] =	vst v1;
	v1 =	vadd.f32 v7, v5;
	v7 =	vld [tilespmem:s10+$0xA030]  }
0x177: {  	v4 =	vld [tilespmem:s10+$0x4040];
	v5 =	vadd.f32 v8, v5;
	[tilespmem:s10+$0x6020] =	vst v0  }
0x178: {  	v0 =	vld [tilespmem:s10+$0x2040];
	[tilespmem:s10+$0x8020] =	vst v1;
	v1 =	vadd.f32 v2, v63  }
0x179: {  	[tilespmem:s10+$0xA020] =	vst v5;
	v3 =	vadd.f32 v3, v63;
	v2 =	vld [tilespmem:s10+$0x6040]  }
0x17a: {  	v6 =	vadd.f32 v6, v63;
	[tilespmem:s10+$0x4030] =	vst v1;
	v1 =	vld [tilespmem:s10+$0x8040]  }
0x17b: {  	s13 =	simm.s32 $0x400;
	s12 =	simm.s32 $0x0;
	[tilespmem:s10+$0x6030] =	vst v3;
	v3 =	vld [tilespmem:s10+$0xA040];
	v5 =	vadd.f32 v7, v63  }
.LBB2_8:
0x17c: {  	s14 =	sand.u32 $0x1C00, s13;
	[tilespmem:s10+$0x8030] =	vst v6;
	v6 =	vld [tilespmem:s10+$0x2050];
	s11 =	sadd.s32 $0x10, s11  }
0x17d: {  	s12 =	sadd.s32 $0x8, s12;
	s15 =	sor.u32 s14, s11;
	[tilespmem:s10+$0xA030] =	vst v5;
	v4 =	vadd.f32 v4, v0;
	v5 =	vld [tilespmem:s10+$0x4050]  }
0x17e: {  	p0 =	slt.u32 s12, $0x1F8;
	s15 =	sor.u32 $0x70, s15;
	v2 =	vadd.f32 v2, v0;
	v7 =	vld [tilespmem:s10+$0x6050]  }
0x17f: {  	v8 =	vld [tilespmem:s15+$0x2000];
	[tilespmem:s10+$0x4040] =	vst v4;
	v1 =	vadd.f32 v1, v0  }
0x180: {  	v4 =	vld [tilespmem:s15+$0x4000];
	[tilespmem:s10+$0x6040] =	vst v2;
	v0 =	vadd.f32 v3, v0  }
0x181: {  	[tilespmem:s10+$0x8040] =	vst v1;
	v1 =	vld [tilespmem:s10+$0x8050]  }
0x182: {  	[tilespmem:s10+$0xA040] =	vst v0;
	v0 =	vadd.f32 v5, v6;
	v2 =	vld [tilespmem:s10+$0xA050]  }
0x183: {  	v3 =	vadd.f32 v7, v6;
	v5 =	vld [tilespmem:s10+$0x2060]  }
0x184: {  	[tilespmem:s10+$0x4050] =	vst v0;
	v0 =	vld [tilespmem:s10+$0x4060]  }
0x185: {  	v4 =	vadd.f32 v4, v8;
	[tilespmem:s10+$0x6050] =	vst v3;
	v3 =	vld [tilespmem:s10+$0x6060]  }
0x186: {  	s16 =	sand.u32 $0x380, s11;
	v1 =	vadd.f32 v1, v6;
	v7 =	vld [tilespmem:s10+$0x8060]  }
0x187: {  	s14 =	sor.u32 s16, s14;
	[tilespmem:s15+$0x4000] =	vst v4;
	v2 =	vadd.f32 v2, v6;
	v4 =	vld [tilespmem:s10+$0xA060]  }
0x188: {  	v6 =	vld [tilespmem:s14+$0xA070];
	[tilespmem:s10+$0x8050] =	vst v1  }
0x189: {  	v1 =	vld [tilespmem:s14+$0x6070];
	[tilespmem:s10+$0xA050] =	vst v2;
	v0 =	vadd.f32 v0, v5  }
0x18a: {  	v2 =	vld [tilespmem:s14+$0x8070];
	v3 =	vadd.f32 v3, v5  }
0x18b: {  	v9 =	vld [tilespmem:s14+$0x2000];
	[tilespmem:s10+$0x4060] =	vst v0;
	v0 =	vadd.f32 v7, v5  }
0x18c: {  	v7 =	vld [tilespmem:s14+$0x4000];
	[tilespmem:s10+$0x6060] =	vst v3;
	v3 =	vadd.f32 v4, v5  }
0x18d: {  	v4 =	vld [tilespmem:s14+$0x6000];
	v5 =	vadd.f32 v6, v8;
	[tilespmem:s10+$0x8060] =	vst v0  }
0x18e: {  	v0 =	vld [tilespmem:s14+$0x8000];
	v1 =	vadd.f32 v1, v8;
	[tilespmem:s10+$0xA060] =	vst v3;
	s10 =	smov.u32 s14  }
0x18f: {  	v3 =	vld [tilespmem:s10+$0xA000];
	v2 =	vadd.f32 v2, v8;
	[tilespmem:s10+$0xA070] =	vst v5  }
0x190: {  	v5 =	vld [tilespmem:s10+$0x2010];
	[tilespmem:s10+$0x6070] =	vst v1  }
0x191: {  	v1 =	vadd.f32 v7, v9;
	v6 =	vld [tilespmem:s10+$0x4010];
	[tilespmem:s10+$0x8070] =	vst v2  }
0x192: {  	v2 =	vadd.f32 v4, v9;
	v4 =	vld [tilespmem:s10+$0x6010]  }
0x193: {  	[tilespmem:s10+$0x4000] =	vst v1;
	v0 =	vadd.f32 v0, v9;
	v1 =	vld [tilespmem:s10+$0x8010]  }
0x194: {  	[tilespmem:s10+$0x6000] =	vst v2;
	v2 =	vadd.f32 v3, v9;
	v3 =	vld [tilespmem:s10+$0xA010]  }
0x195: {  	[tilespmem:s10+$0x8000] =	vst v0;
	v0 =	vld [tilespmem:s10+$0x2020]  }
0x196: {  	[tilespmem:s10+$0xA000] =	vst v2;
	v2 =	vadd.f32 v6, v5;
	v6 =	vld [tilespmem:s10+$0x4020]  }
0x197: {  	v4 =	vadd.f32 v4, v5;
	v7 =	vld [tilespmem:s10+$0x6020]  }
0x198: {  	[tilespmem:s10+$0x4010] =	vst v2;
	v1 =	vadd.f32 v1, v5;
	v2 =	vld [tilespmem:s10+$0x8020]  }
0x199: {  	[tilespmem:s10+$0x6010] =	vst v4;
	v3 =	vadd.f32 v3, v5;
	v4 =	vld [tilespmem:s10+$0xA020]  }
0x19a: {  	[tilespmem:s10+$0x8010] =	vst v1;
	v5 =	vld [tilespmem:s10+$0x2030]  }
0x19b: {  	[tilespmem:s10+$0xA010] =	vst v3;
	v1 =	vadd.f32 v6, v0;
	v3 =	vld [tilespmem:s10+$0x4030]  }
0x19c: {  	v6 =	vadd.f32 v7, v0;
	v7 =	vld [tilespmem:s10+$0x6030]  }
0x19d: {  	[tilespmem:s10+$0x4020] =	vst v1;
	v1 =	vadd.f32 v2, v0;
	v8 =	vld [tilespmem:s10+$0x8030]  }
0x19e: {  	[tilespmem:s10+$0x6020] =	vst v6;
	v2 =	vadd.f32 v4, v0;
	v9 =	vld [tilespmem:s10+$0xA030]  }
.Ltmp3:
0x19f: {  	[tilespmem:s10+$0x8020] =	vst v1;
	v0 =	vld [tilespmem:s10+$0x2040];
	(pc) =	sbr.rel @p0 .LBB2_8-.Ltmp3, $4  }
0x1a0: {  	[tilespmem:s10+$0xA020] =	vst v2;
	v1 =	vadd.f32 v3, v5;
	v4 =	vld [tilespmem:s10+$0x4040]  }
0x1a1: {  	v3 =	vadd.f32 v7, v5;
	v2 =	vld [tilespmem:s10+$0x6040]  }
0x1a2: {  	[tilespmem:s10+$0x4030] =	vst v1;
	v6 =	vadd.f32 v8, v5;
	v1 =	vld [tilespmem:s10+$0x8040]  }
0x1a3: {  	s13 =	sadd.s32 $0x400, s13;
	[tilespmem:s10+$0x6030] =	vst v3;
	v5 =	vadd.f32 v9, v5;
	v3 =	vld [tilespmem:s10+$0xA040]  }
0x1a4: {  	v7 =	vld [tilespmem:s10+$0x2050]  }
0x1a5: {  	v8 =	vld [tilespmem:s10+$0x4050]  }
0x1a6: {  	v9 =	vld [tilespmem:s10+$0x6050]  }
0x1a7: {  	[tilespmem:s10+$0x8030] =	vst v6;
	v6 =	vld [tilespmem:s10+$0x8050];
	v4 =	vadd.f32 v4, v0  }
0x1a8: {  	[tilespmem:s10+$0xA030] =	vst v5;
	v5 =	vld [tilespmem:s10+$0xA050];
	v2 =	vadd.f32 v2, v0  }
0x1a9: {  	[tilespmem:s10+$0x4040] =	vst v4;
	v1 =	vadd.f32 v1, v0;
	v4 =	vld [tilespmem:s10+$0x2060]  }
0x1aa: {  	[tilespmem:s10+$0x6040] =	vst v2;
	v0 =	vadd.f32 v3, v0;
	v2 =	vld [tilespmem:s10+$0x4060]  }
0x1ab: {  	v3 =	vld [tilespmem:s10+$0x6060];
	[tilespmem:s10+$0x8040] =	vst v1;
	v1 =	vadd.f32 v8, v7  }
0x1ac: {  	v8 =	vld [tilespmem:s10+$0x8060];
	[tilespmem:s10+$0xA040] =	vst v0;
	v0 =	vadd.f32 v9, v7  }
0x1ad: {  	[tilespmem:s10+$0x4050] =	vst v1;
	v1 =	vadd.f32 v6, v7;
	v6 =	vld [tilespmem:s10+$0xA060]  }
0x1ae: {  	[tilespmem:s10+$0x6050] =	vst v0;
	v0 =	vadd.f32 v5, v7  }
0x1af: {  	[tilespmem:s10+$0x8050] =	vst v1;
	v1 =	vadd.f32 v2, v4  }
0x1b0: {  	[tilespmem:s10+$0xA050] =	vst v0;
	v0 =	vadd.f32 v3, v4  }
0x1b1: {  	[tilespmem:s10+$0x4060] =	vst v1;
	v1 =	vadd.f32 v8, v4  }
0x1b2: {  	[tilespmem:s10+$0x6060] =	vst v0;
	v0 =	vadd.f32 v6, v4  }
0x1b3: {  	[tilespmem:s10+$0x8060] =	vst v1  }
0x1b4: {  	[tilespmem:s10+$0xA060] =	vst v0  }
0x1b5: {  	s11 =	simm.s32 $0x0;
	s10 =	rddreg [dreg:$0x11]  }
0x1b6: {  	[tilespmem:s29], [sflag:$0x1] =	stream.linear.gather [hbm4b:s10+s11], $0x2000, $0x38;
	[tilespmem:$0x1C000] =	vst v63  }
0x1b7: {  	s15 =	rddreg [dreg:$0x12]  }
0x1b8: {  	[hbm4b:s15+s29] =	stream.strided.scatter [tilespmem:s31], [sflag:$0x5], $0x8000, s30, s29, $0x38;
	[tilespmem:$0x1C000] =	vst v63  }
0x1b9: {  	_ =	swait.ge [sflag:s8], $0x8000  }
0x1ba: {  	[sflag:s8] =	ssyncset.done $0x0  }
0x1bb: {  	[sflag:s8] =	ssyncadd.s32 $0xFFFF8000  }
0x1bc: {  	[tilespmem:s3], [sflag:$0x4] =	stream.strided.gather [hbm4b:s21+s29], $0x8000, s30, s29, $0x38;
	[tilespmem:$0x1C000] =	vst v63  }
0x1bd: {  	_ =	swait.ge [sflag:s0], $0x2000  }
0x1be: {  	[sflag:s0] =	ssyncset.done $0x0  }
0x1bf: {  	[sflag:s0] =	ssyncadd.s32 $0xFFFFE000  }
0x1c0: {  	s16 =	sand.u32 $0x1C00, s11;
	_ =	swait.ge [sflag:s4], $0x8000  }
0x1c1: {  	s12 =	sor.u32 s16, s11;
	[sflag:s4] =	ssyncset.done $0x0  }
0x1c2: {  	s12 =	sor.u32 $0x70, s12;
	[sflag:s4] =	ssyncadd.s32 $0xFFFF8000  }
0x1c3: {  	v0 =	vld [tilespmem:s12+$0x0]  }
0x1c4: {  	v1 =	vld [tilespmem:s12+$0xC000];
	_ =	sdelay $0x1  }
0x1c5: {  	s13 =	sand.u32 $0x380, s11  }
0x1c6: {  	s10 =	sor.u32 s13, s16  }
0x1c7: {  	v4 =	vld [tilespmem:s10+$0x0]  }
0x1c8: {  	v5 =	vld [tilespmem:s10+$0xC000];
	v1 =	vadd.f32 v1, v0  }
0x1c9: {  	v6 =	vld [tilespmem:s10+$0xE000]  }
0x1ca: {  	v7 =	vld [tilespmem:s10+$0x10000];
	[tilespmem:s12+$0xC000] =	vst v1  }
0x1cb: {  	v1 =	vld [tilespmem:s10+$0x12070]  }
0x1cc: {  	v2 =	vld [tilespmem:s10+$0xE070]  }
0x1cd: {  	v3 =	vld [tilespmem:s10+$0x10070]  }
0x1ce: {  	v8 =	vld [tilespmem:s10+$0x12000]  }
0x1cf: {  	v62 =	vld [tilespmem:s10+$0x10]  }
0x1d0: {  	v10 =	vld [tilespmem:s10+$0xC010];
	v1 =	vadd.f32 v1, v0  }
0x1d1: {  	v11 =	vld [tilespmem:s10+$0xE010];
	v2 =	vadd.f32 v2, v0  }
0x1d2: {  	v63 =	vld [tilespmem:s10+$0x30];
	v0 =	vadd.f32 v3, v0;
	[tilespmem:s10+$0x12070] =	vst v1  }
0x1d3: {  	v3 =	vld [tilespmem:s10+$0x12010];
	[tilespmem:s10+$0xE070] =	vst v2;
	v2 =	vadd.f32 v5, v4  }
0x1d4: {  	v1 =	vld [tilespmem:s10+$0x10010];
	[tilespmem:s10+$0x10070] =	vst v0;
	v0 =	vadd.f32 v6, v4  }
0x1d5: {  	v5 =	vld [tilespmem:s10+$0x20];
	[tilespmem:s10+$0xC000] =	vst v2;
	v2 =	vadd.f32 v7, v4  }
0x1d6: {  	v6 =	vld [tilespmem:s10+$0xC020];
	[tilespmem:s10+$0xE000] =	vst v0;
	v0 =	vadd.f32 v8, v4  }
0x1d7: {  	v4 =	vld [tilespmem:s10+$0xE020];
	[tilespmem:s10+$0x10000] =	vst v2;
	v2 =	vadd.f32 v10, v62  }
0x1d8: {  	v7 =	vld [tilespmem:s10+$0x10020];
	[tilespmem:s10+$0x12000] =	vst v0;
	v0 =	vadd.f32 v11, v62  }
0x1d9: {  	v8 =	vld [tilespmem:s10+$0x12020];
	v1 =	vadd.f32 v1, v62;
	[tilespmem:s10+$0xC010] =	vst v2  }
0x1da: {  	[tilespmem:s10+$0xE010] =	vst v0;
	v0 =	vadd.f32 v3, v62;
	v2 =	vld [tilespmem:s10+$0xC030]  }
0x1db: {  	v3 =	vld [tilespmem:s10+$0xE030];
	[tilespmem:s10+$0x10010] =	vst v1;
	v1 =	vadd.f32 v6, v5  }
0x1dc: {  	v6 =	vld [tilespmem:s10+$0x10030];
	[tilespmem:s10+$0x12010] =	vst v0;
	v0 =	vadd.f32 v4, v5  }
0x1dd: {  	[tilespmem:s10+$0xC020] =	vst v1;
	v1 =	vadd.f32 v7, v5;
	v7 =	vld [tilespmem:s10+$0x12030]  }
0x1de: {  	v4 =	vld [tilespmem:s10+$0xC040];
	v5 =	vadd.f32 v8, v5;
	[tilespmem:s10+$0xE020] =	vst v0  }
0x1df: {  	v0 =	vld [tilespmem:s10+$0x40];
	[tilespmem:s10+$0x10020] =	vst v1;
	v1 =	vadd.f32 v2, v63  }
0x1e0: {  	[tilespmem:s10+$0x12020] =	vst v5;
	v3 =	vadd.f32 v3, v63;
	v2 =	vld [tilespmem:s10+$0xE040]  }
0x1e1: {  	v6 =	vadd.f32 v6, v63;
	[tilespmem:s10+$0xC030] =	vst v1;
	v1 =	vld [tilespmem:s10+$0x10040]  }
0x1e2: {  	s13 =	simm.s32 $0x400;
	s12 =	simm.s32 $0x0;
	[tilespmem:s10+$0xE030] =	vst v3;
	v3 =	vld [tilespmem:s10+$0x12040];
	v5 =	vadd.f32 v7, v63  }
.LBB2_10:
0x1e3: {  	s14 =	sand.u32 $0x1C00, s13;
	[tilespmem:s10+$0x10030] =	vst v6;
	v6 =	vld [tilespmem:s10+$0x50];
	s11 =	sadd.s32 $0x10, s11  }
0x1e4: {  	s12 =	sadd.s32 $0x8, s12;
	s15 =	sor.u32 s14, s11;
	[tilespmem:s10+$0x12030] =	vst v5;
	v4 =	vadd.f32 v4, v0;
	v5 =	vld [tilespmem:s10+$0xC050]  }
0x1e5: {  	p0 =	slt.u32 s12, $0x1F8;
	s15 =	sor.u32 $0x70, s15;
	v2 =	vadd.f32 v2, v0;
	v7 =	vld [tilespmem:s10+$0xE050]  }
0x1e6: {  	v8 =	vld [tilespmem:s15+$0x0];
	[tilespmem:s10+$0xC040] =	vst v4;
	v1 =	vadd.f32 v1, v0  }
0x1e7: {  	v4 =	vld [tilespmem:s15+$0xC000];
	[tilespmem:s10+$0xE040] =	vst v2;
	v0 =	vadd.f32 v3, v0  }
0x1e8: {  	[tilespmem:s10+$0x10040] =	vst v1;
	v1 =	vld [tilespmem:s10+$0x10050]  }
0x1e9: {  	[tilespmem:s10+$0x12040] =	vst v0;
	v0 =	vadd.f32 v5, v6;
	v2 =	vld [tilespmem:s10+$0x12050]  }
0x1ea: {  	v3 =	vadd.f32 v7, v6;
	v5 =	vld [tilespmem:s10+$0x60]  }
0x1eb: {  	[tilespmem:s10+$0xC050] =	vst v0;
	v0 =	vld [tilespmem:s10+$0xC060]  }
0x1ec: {  	v4 =	vadd.f32 v4, v8;
	[tilespmem:s10+$0xE050] =	vst v3;
	v3 =	vld [tilespmem:s10+$0xE060]  }
0x1ed: {  	s16 =	sand.u32 $0x380, s11;
	v1 =	vadd.f32 v1, v6;
	v7 =	vld [tilespmem:s10+$0x10060]  }
0x1ee: {  	s14 =	sor.u32 s16, s14;
	[tilespmem:s15+$0xC000] =	vst v4;
	v2 =	vadd.f32 v2, v6;
	v4 =	vld [tilespmem:s10+$0x12060]  }
0x1ef: {  	v6 =	vld [tilespmem:s14+$0x12070];
	[tilespmem:s10+$0x10050] =	vst v1  }
0x1f0: {  	v1 =	vld [tilespmem:s14+$0xE070];
	[tilespmem:s10+$0x12050] =	vst v2;
	v0 =	vadd.f32 v0, v5  }
0x1f1: {  	v2 =	vld [tilespmem:s14+$0x10070];
	v3 =	vadd.f32 v3, v5  }
0x1f2: {  	v9 =	vld [tilespmem:s14+$0x0];
	[tilespmem:s10+$0xC060] =	vst v0;
	v0 =	vadd.f32 v7, v5  }
0x1f3: {  	v7 =	vld [tilespmem:s14+$0xC000];
	[tilespmem:s10+$0xE060] =	vst v3;
	v3 =	vadd.f32 v4, v5  }
0x1f4: {  	v4 =	vld [tilespmem:s14+$0xE000];
	v5 =	vadd.f32 v6, v8;
	[tilespmem:s10+$0x10060] =	vst v0  }
0x1f5: {  	v0 =	vld [tilespmem:s14+$0x10000];
	v1 =	vadd.f32 v1, v8;
	[tilespmem:s10+$0x12060] =	vst v3;
	s10 =	smov.u32 s14  }
0x1f6: {  	v3 =	vld [tilespmem:s10+$0x12000];
	v2 =	vadd.f32 v2, v8;
	[tilespmem:s10+$0x12070] =	vst v5  }
0x1f7: {  	v5 =	vld [tilespmem:s10+$0x10];
	[tilespmem:s10+$0xE070] =	vst v1  }
0x1f8: {  	v1 =	vadd.f32 v7, v9;
	v6 =	vld [tilespmem:s10+$0xC010];
	[tilespmem:s10+$0x10070] =	vst v2  }
0x1f9: {  	v2 =	vadd.f32 v4, v9;
	v4 =	vld [tilespmem:s10+$0xE010]  }
0x1fa: {  	[tilespmem:s10+$0xC000] =	vst v1;
	v0 =	vadd.f32 v0, v9;
	v1 =	vld [tilespmem:s10+$0x10010]  }
0x1fb: {  	[tilespmem:s10+$0xE000] =	vst v2;
	v2 =	vadd.f32 v3, v9;
	v3 =	vld [tilespmem:s10+$0x12010]  }
0x1fc: {  	[tilespmem:s10+$0x10000] =	vst v0;
	v0 =	vld [tilespmem:s10+$0x20]  }
0x1fd: {  	[tilespmem:s10+$0x12000] =	vst v2;
	v2 =	vadd.f32 v6, v5;
	v6 =	vld [tilespmem:s10+$0xC020]  }
0x1fe: {  	v4 =	vadd.f32 v4, v5;
	v7 =	vld [tilespmem:s10+$0xE020]  }
0x1ff: {  	[tilespmem:s10+$0xC010] =	vst v2;
	v1 =	vadd.f32 v1, v5;
	v2 =	vld [tilespmem:s10+$0x10020]  }
0x200: {  	[tilespmem:s10+$0xE010] =	vst v4;
	v3 =	vadd.f32 v3, v5;
	v4 =	vld [tilespmem:s10+$0x12020]  }
0x201: {  	[tilespmem:s10+$0x10010] =	vst v1;
	v5 =	vld [tilespmem:s10+$0x30]  }
0x202: {  	[tilespmem:s10+$0x12010] =	vst v3;
	v1 =	vadd.f32 v6, v0;
	v3 =	vld [tilespmem:s10+$0xC030]  }
0x203: {  	v6 =	vadd.f32 v7, v0;
	v7 =	vld [tilespmem:s10+$0xE030]  }
0x204: {  	[tilespmem:s10+$0xC020] =	vst v1;
	v1 =	vadd.f32 v2, v0;
	v8 =	vld [tilespmem:s10+$0x10030]  }
0x205: {  	[tilespmem:s10+$0xE020] =	vst v6;
	v2 =	vadd.f32 v4, v0;
	v9 =	vld [tilespmem:s10+$0x12030]  }
.Ltmp4:
0x206: {  	[tilespmem:s10+$0x10020] =	vst v1;
	v0 =	vld [tilespmem:s10+$0x40];
	(pc) =	sbr.rel @p0 .LBB2_10-.Ltmp4, $4  }
0x207: {  	[tilespmem:s10+$0x12020] =	vst v2;
	v1 =	vadd.f32 v3, v5;
	v4 =	vld [tilespmem:s10+$0xC040]  }
0x208: {  	v3 =	vadd.f32 v7, v5;
	v2 =	vld [tilespmem:s10+$0xE040]  }
0x209: {  	[tilespmem:s10+$0xC030] =	vst v1;
	v6 =	vadd.f32 v8, v5;
	v1 =	vld [tilespmem:s10+$0x10040]  }
0x20a: {  	s13 =	sadd.s32 $0x400, s13;
	[tilespmem:s10+$0xE030] =	vst v3;
	v5 =	vadd.f32 v9, v5;
	v3 =	vld [tilespmem:s10+$0x12040]  }
0x20b: {  	v7 =	vld [tilespmem:s10+$0x50]  }
0x20c: {  	v8 =	vld [tilespmem:s10+$0xC050]  }
0x20d: {  	v9 =	vld [tilespmem:s10+$0xE050]  }
0x20e: {  	[tilespmem:s10+$0x10030] =	vst v6;
	v6 =	vld [tilespmem:s10+$0x10050];
	v4 =	vadd.f32 v4, v0  }
0x20f: {  	[tilespmem:s10+$0x12030] =	vst v5;
	v5 =	vld [tilespmem:s10+$0x12050];
	v2 =	vadd.f32 v2, v0  }
0x210: {  	[tilespmem:s10+$0xC040] =	vst v4;
	v1 =	vadd.f32 v1, v0;
	v4 =	vld [tilespmem:s10+$0x60]  }
0x211: {  	[tilespmem:s10+$0xE040] =	vst v2;
	v0 =	vadd.f32 v3, v0;
	v2 =	vld [tilespmem:s10+$0xC060]  }
0x212: {  	v3 =	vld [tilespmem:s10+$0xE060];
	[tilespmem:s10+$0x10040] =	vst v1;
	v1 =	vadd.f32 v8, v7  }
0x213: {  	v8 =	vld [tilespmem:s10+$0x10060];
	[tilespmem:s10+$0x12040] =	vst v0;
	v0 =	vadd.f32 v9, v7  }
0x214: {  	[tilespmem:s10+$0xC050] =	vst v1;
	v1 =	vadd.f32 v6, v7;
	v6 =	vld [tilespmem:s10+$0x12060]  }
0x215: {  	[tilespmem:s10+$0xE050] =	vst v0;
	v0 =	vadd.f32 v5, v7  }
0x216: {  	[tilespmem:s10+$0x10050] =	vst v1;
	v1 =	vadd.f32 v2, v4  }
0x217: {  	[tilespmem:s10+$0x12050] =	vst v0;
	v0 =	vadd.f32 v3, v4  }
0x218: {  	[tilespmem:s10+$0xC060] =	vst v1;
	v1 =	vadd.f32 v8, v4  }
0x219: {  	[tilespmem:s10+$0xE060] =	vst v0;
	v0 =	vadd.f32 v6, v4  }
0x21a: {  	[tilespmem:s10+$0x10060] =	vst v1  }
0x21b: {  	s11 =	simm.s32 $0x0;
	[tilespmem:s10+$0x12060] =	vst v0  }
0x21c: {  	[tilespmem:s11], [sflag:$0x1] =	stream.linear.gather [hbm4b:s17+s11], $0x2000, $0x38;
	[tilespmem:$0x1C000] =	vst v63  }
0x21d: {  	_ = 	snop  }
0x21e: {  	[hbm4b:s18+s29] =	stream.strided.scatter [tilespmem:s20], [sflag:$0x6], $0x8000, s30, s29, $0x38;
	[tilespmem:$0x1C000] =	vst v63  }
0x21f: {  	_ =	swait.ge [sflag:s5], $0x8000  }
0x220: {  	[sflag:s5] =	ssyncset.done $0x0  }
0x221: {  	[sflag:s5] =	ssyncadd.s32 $0xFFFF8000  }
0x222: {  	[tilespmem:s31], [sflag:$0x2] =	stream.strided.gather [hbm4b:s23+s29], $0x8000, s30, s29, $0x38;
	[tilespmem:$0x1C000] =	vst v63  }
0x223: {  	_ =	swait.ge [sflag:s0], $0x2000  }
0x224: {  	[sflag:s0] =	ssyncset.done $0x0  }
0x225: {  	[sflag:s0] =	ssyncadd.s32 $0xFFFFE000  }
0x226: {  	s16 =	sand.u32 $0x1C00, s11;
	_ =	swait.ge [sflag:s6], $0x8000  }
0x227: {  	s12 =	sor.u32 s16, s11;
	[sflag:s6] =	ssyncset.done $0x0  }
0x228: {  	s12 =	sor.u32 $0x70, s12;
	[sflag:s6] =	ssyncadd.s32 $0xFFFF8000  }
0x229: {  	v0 =	vld [tilespmem:s12+$0x2000]  }
0x22a: {  	v1 =	vld [tilespmem:s12+$0x14000];
	_ =	sdelay $0x1  }
0x22b: {  	s13 =	sand.u32 $0x380, s11  }
0x22c: {  	s10 =	sor.u32 s13, s16  }
0x22d: {  	v4 =	vld [tilespmem:s10+$0x2000]  }
0x22e: {  	v5 =	vld [tilespmem:s10+$0x14000];
	v1 =	vadd.f32 v1, v0  }
0x22f: {  	v6 =	vld [tilespmem:s10+$0x16000]  }
0x230: {  	v7 =	vld [tilespmem:s10+$0x18000];
	[tilespmem:s12+$0x14000] =	vst v1  }
0x231: {  	v1 =	vld [tilespmem:s10+$0x1A070]  }
0x232: {  	v2 =	vld [tilespmem:s10+$0x16070]  }
0x233: {  	v3 =	vld [tilespmem:s10+$0x18070]  }
0x234: {  	v8 =	vld [tilespmem:s10+$0x1A000]  }
0x235: {  	v62 =	vld [tilespmem:s10+$0x2010]  }
0x236: {  	v10 =	vld [tilespmem:s10+$0x14010];
	v1 =	vadd.f32 v1, v0  }
0x237: {  	v11 =	vld [tilespmem:s10+$0x16010];
	v2 =	vadd.f32 v2, v0  }
0x238: {  	v63 =	vld [tilespmem:s10+$0x2030];
	v0 =	vadd.f32 v3, v0;
	[tilespmem:s10+$0x1A070] =	vst v1  }
0x239: {  	v3 =	vld [tilespmem:s10+$0x1A010];
	[tilespmem:s10+$0x16070] =	vst v2;
	v2 =	vadd.f32 v5, v4  }
0x23a: {  	v1 =	vld [tilespmem:s10+$0x18010];
	[tilespmem:s10+$0x18070] =	vst v0;
	v0 =	vadd.f32 v6, v4  }
0x23b: {  	v5 =	vld [tilespmem:s10+$0x2020];
	[tilespmem:s10+$0x14000] =	vst v2;
	v2 =	vadd.f32 v7, v4  }
0x23c: {  	v6 =	vld [tilespmem:s10+$0x14020];
	[tilespmem:s10+$0x16000] =	vst v0;
	v0 =	vadd.f32 v8, v4  }
0x23d: {  	v4 =	vld [tilespmem:s10+$0x16020];
	[tilespmem:s10+$0x18000] =	vst v2;
	v2 =	vadd.f32 v10, v62  }
0x23e: {  	v7 =	vld [tilespmem:s10+$0x18020];
	[tilespmem:s10+$0x1A000] =	vst v0;
	v0 =	vadd.f32 v11, v62  }
0x23f: {  	v8 =	vld [tilespmem:s10+$0x1A020];
	v1 =	vadd.f32 v1, v62;
	[tilespmem:s10+$0x14010] =	vst v2  }
0x240: {  	[tilespmem:s10+$0x16010] =	vst v0;
	v0 =	vadd.f32 v3, v62;
	v2 =	vld [tilespmem:s10+$0x14030]  }
0x241: {  	v3 =	vld [tilespmem:s10+$0x16030];
	[tilespmem:s10+$0x18010] =	vst v1;
	v1 =	vadd.f32 v6, v5  }
0x242: {  	v6 =	vld [tilespmem:s10+$0x18030];
	[tilespmem:s10+$0x1A010] =	vst v0;
	v0 =	vadd.f32 v4, v5  }
0x243: {  	[tilespmem:s10+$0x14020] =	vst v1;
	v1 =	vadd.f32 v7, v5;
	v7 =	vld [tilespmem:s10+$0x1A030]  }
0x244: {  	v4 =	vld [tilespmem:s10+$0x14040];
	v5 =	vadd.f32 v8, v5;
	[tilespmem:s10+$0x16020] =	vst v0  }
0x245: {  	v0 =	vld [tilespmem:s10+$0x2040];
	[tilespmem:s10+$0x18020] =	vst v1;
	v1 =	vadd.f32 v2, v63  }
0x246: {  	[tilespmem:s10+$0x1A020] =	vst v5;
	v3 =	vadd.f32 v3, v63;
	v2 =	vld [tilespmem:s10+$0x16040]  }
0x247: {  	v6 =	vadd.f32 v6, v63;
	[tilespmem:s10+$0x14030] =	vst v1;
	v1 =	vld [tilespmem:s10+$0x18040]  }
0x248: {  	s13 =	simm.s32 $0x400;
	s12 =	simm.s32 $0x0;
	[tilespmem:s10+$0x16030] =	vst v3;
	v3 =	vld [tilespmem:s10+$0x1A040];
	v5 =	vadd.f32 v7, v63  }
.LBB2_12:
0x249: {  	s14 =	sand.u32 $0x1C00, s13;
	[tilespmem:s10+$0x18030] =	vst v6;
	v6 =	vld [tilespmem:s10+$0x2050];
	s11 =	sadd.s32 $0x10, s11  }
0x24a: {  	s12 =	sadd.s32 $0x8, s12;
	s15 =	sor.u32 s14, s11;
	[tilespmem:s10+$0x1A030] =	vst v5;
	v4 =	vadd.f32 v4, v0;
	v5 =	vld [tilespmem:s10+$0x14050]  }
0x24b: {  	p0 =	slt.u32 s12, $0x1F8;
	s15 =	sor.u32 $0x70, s15;
	v2 =	vadd.f32 v2, v0;
	v7 =	vld [tilespmem:s10+$0x16050]  }
0x24c: {  	v8 =	vld [tilespmem:s15+$0x2000];
	[tilespmem:s10+$0x14040] =	vst v4;
	v1 =	vadd.f32 v1, v0  }
0x24d: {  	v4 =	vld [tilespmem:s15+$0x14000];
	[tilespmem:s10+$0x16040] =	vst v2;
	v0 =	vadd.f32 v3, v0  }
0x24e: {  	[tilespmem:s10+$0x18040] =	vst v1;
	v1 =	vld [tilespmem:s10+$0x18050]  }
0x24f: {  	[tilespmem:s10+$0x1A040] =	vst v0;
	v0 =	vadd.f32 v5, v6;
	v2 =	vld [tilespmem:s10+$0x1A050]  }
0x250: {  	v3 =	vadd.f32 v7, v6;
	v5 =	vld [tilespmem:s10+$0x2060]  }
0x251: {  	[tilespmem:s10+$0x14050] =	vst v0;
	v0 =	vld [tilespmem:s10+$0x14060]  }
0x252: {  	v4 =	vadd.f32 v4, v8;
	[tilespmem:s10+$0x16050] =	vst v3;
	v3 =	vld [tilespmem:s10+$0x16060]  }
0x253: {  	s16 =	sand.u32 $0x380, s11;
	v1 =	vadd.f32 v1, v6;
	v7 =	vld [tilespmem:s10+$0x18060]  }
0x254: {  	s14 =	sor.u32 s16, s14;
	[tilespmem:s15+$0x14000] =	vst v4;
	v2 =	vadd.f32 v2, v6;
	v4 =	vld [tilespmem:s10+$0x1A060]  }
0x255: {  	v6 =	vld [tilespmem:s14+$0x1A070];
	[tilespmem:s10+$0x18050] =	vst v1  }
0x256: {  	v1 =	vld [tilespmem:s14+$0x16070];
	[tilespmem:s10+$0x1A050] =	vst v2;
	v0 =	vadd.f32 v0, v5  }
0x257: {  	v2 =	vld [tilespmem:s14+$0x18070];
	v3 =	vadd.f32 v3, v5  }
0x258: {  	v9 =	vld [tilespmem:s14+$0x2000];
	[tilespmem:s10+$0x14060] =	vst v0;
	v0 =	vadd.f32 v7, v5  }
0x259: {  	v7 =	vld [tilespmem:s14+$0x14000];
	[tilespmem:s10+$0x16060] =	vst v3;
	v3 =	vadd.f32 v4, v5  }
0x25a: {  	v4 =	vld [tilespmem:s14+$0x16000];
	v5 =	vadd.f32 v6, v8;
	[tilespmem:s10+$0x18060] =	vst v0  }
0x25b: {  	v0 =	vld [tilespmem:s14+$0x18000];
	v1 =	vadd.f32 v1, v8;
	[tilespmem:s10+$0x1A060] =	vst v3;
	s10 =	smov.u32 s14  }
0x25c: {  	v3 =	vld [tilespmem:s10+$0x1A000];
	v2 =	vadd.f32 v2, v8;
	[tilespmem:s10+$0x1A070] =	vst v5  }
0x25d: {  	v5 =	vld [tilespmem:s10+$0x2010];
	[tilespmem:s10+$0x16070] =	vst v1  }
0x25e: {  	v1 =	vadd.f32 v7, v9;
	v6 =	vld [tilespmem:s10+$0x14010];
	[tilespmem:s10+$0x18070] =	vst v2  }
0x25f: {  	v2 =	vadd.f32 v4, v9;
	v4 =	vld [tilespmem:s10+$0x16010]  }
0x260: {  	[tilespmem:s10+$0x14000] =	vst v1;
	v0 =	vadd.f32 v0, v9;
	v1 =	vld [tilespmem:s10+$0x18010]  }
0x261: {  	[tilespmem:s10+$0x16000] =	vst v2;
	v2 =	vadd.f32 v3, v9;
	v3 =	vld [tilespmem:s10+$0x1A010]  }
0x262: {  	[tilespmem:s10+$0x18000] =	vst v0;
	v0 =	vld [tilespmem:s10+$0x2020]  }
0x263: {  	[tilespmem:s10+$0x1A000] =	vst v2;
	v2 =	vadd.f32 v6, v5;
	v6 =	vld [tilespmem:s10+$0x14020]  }
0x264: {  	v4 =	vadd.f32 v4, v5;
	v7 =	vld [tilespmem:s10+$0x16020]  }
0x265: {  	[tilespmem:s10+$0x14010] =	vst v2;
	v1 =	vadd.f32 v1, v5;
	v2 =	vld [tilespmem:s10+$0x18020]  }
0x266: {  	[tilespmem:s10+$0x16010] =	vst v4;
	v3 =	vadd.f32 v3, v5;
	v4 =	vld [tilespmem:s10+$0x1A020]  }
0x267: {  	[tilespmem:s10+$0x18010] =	vst v1;
	v5 =	vld [tilespmem:s10+$0x2030]  }
0x268: {  	[tilespmem:s10+$0x1A010] =	vst v3;
	v1 =	vadd.f32 v6, v0;
	v3 =	vld [tilespmem:s10+$0x14030]  }
0x269: {  	v6 =	vadd.f32 v7, v0;
	v7 =	vld [tilespmem:s10+$0x16030]  }
0x26a: {  	[tilespmem:s10+$0x14020] =	vst v1;
	v1 =	vadd.f32 v2, v0;
	v8 =	vld [tilespmem:s10+$0x18030]  }
0x26b: {  	[tilespmem:s10+$0x16020] =	vst v6;
	v2 =	vadd.f32 v4, v0;
	v9 =	vld [tilespmem:s10+$0x1A030]  }
.Ltmp5:
0x26c: {  	[tilespmem:s10+$0x18020] =	vst v1;
	v0 =	vld [tilespmem:s10+$0x2040];
	(pc) =	sbr.rel @p0 .LBB2_12-.Ltmp5, $4  }
0x26d: {  	[tilespmem:s10+$0x1A020] =	vst v2;
	v1 =	vadd.f32 v3, v5;
	v4 =	vld [tilespmem:s10+$0x14040]  }
0x26e: {  	v3 =	vadd.f32 v7, v5;
	v2 =	vld [tilespmem:s10+$0x16040]  }
0x26f: {  	[tilespmem:s10+$0x14030] =	vst v1;
	v6 =	vadd.f32 v8, v5;
	v1 =	vld [tilespmem:s10+$0x18040]  }
0x270: {  	s13 =	sadd.s32 $0x400, s13;
	[tilespmem:s10+$0x16030] =	vst v3;
	v5 =	vadd.f32 v9, v5;
	v3 =	vld [tilespmem:s10+$0x1A040]  }
0x271: {  	v7 =	vld [tilespmem:s10+$0x2050]  }
0x272: {  	v8 =	vld [tilespmem:s10+$0x14050]  }
0x273: {  	v9 =	vld [tilespmem:s10+$0x16050]  }
0x274: {  	[tilespmem:s10+$0x18030] =	vst v6;
	v6 =	vld [tilespmem:s10+$0x18050];
	v4 =	vadd.f32 v4, v0  }
0x275: {  	[tilespmem:s10+$0x1A030] =	vst v5;
	v5 =	vld [tilespmem:s10+$0x1A050];
	v2 =	vadd.f32 v2, v0  }
0x276: {  	[tilespmem:s10+$0x14040] =	vst v4;
	v1 =	vadd.f32 v1, v0;
	v4 =	vld [tilespmem:s10+$0x2060]  }
0x277: {  	[tilespmem:s10+$0x16040] =	vst v2;
	v0 =	vadd.f32 v3, v0;
	v2 =	vld [tilespmem:s10+$0x14060]  }
0x278: {  	v3 =	vld [tilespmem:s10+$0x16060];
	[tilespmem:s10+$0x18040] =	vst v1;
	v1 =	vadd.f32 v8, v7  }
0x279: {  	v8 =	vld [tilespmem:s10+$0x18060];
	[tilespmem:s10+$0x1A040] =	vst v0;
	v0 =	vadd.f32 v9, v7  }
0x27a: {  	[tilespmem:s10+$0x14050] =	vst v1;
	v1 =	vadd.f32 v6, v7;
	v6 =	vld [tilespmem:s10+$0x1A060]  }
0x27b: {  	[tilespmem:s10+$0x16050] =	vst v0;
	v0 =	vadd.f32 v5, v7  }
0x27c: {  	[tilespmem:s10+$0x18050] =	vst v1;
	v1 =	vadd.f32 v2, v4  }
0x27d: {  	[tilespmem:s10+$0x1A050] =	vst v0;
	v0 =	vadd.f32 v3, v4  }
0x27e: {  	[tilespmem:s10+$0x14060] =	vst v1;
	v1 =	vadd.f32 v8, v4  }
0x27f: {  	[tilespmem:s10+$0x16060] =	vst v0;
	v0 =	vadd.f32 v6, v4  }
0x280: {  	[tilespmem:s10+$0x18060] =	vst v1  }
0x281: {  	s11 =	simm.s32 $0x0;
	[tilespmem:s10+$0x1A060] =	vst v0  }
0x282: {  	[tilespmem:s29], [sflag:$0x1] =	stream.linear.gather [hbm4b:s19+s11], $0x2000, $0x38;
	[tilespmem:$0x1C000] =	vst v63  }
0x283: {  	_ = 	snop  }
0x284: {  	[hbm4b:s22+s29] =	stream.strided.scatter [tilespmem:s3], [sflag:$0x7], $0x8000, s30, s29, $0x38;
	[tilespmem:$0x1C000] =	vst v63  }
0x285: {  	_ =	swait.ge [sflag:s7], $0x8000  }
0x286: {  	[sflag:s7] =	ssyncset.done $0x0  }
0x287: {  	[sflag:s7] =	ssyncadd.s32 $0xFFFF8000  }
0x288: {  	[tilespmem:s20], [sflag:$0x3] =	stream.strided.gather [hbm4b:s24+s29], $0x8000, s30, s29, $0x38;
	[tilespmem:$0x1C000] =	vst v63  }
0x289: {  	_ =	swait.ge [sflag:s0], $0x2000  }
0x28a: {  	[sflag:s0] =	ssyncset.done $0x0  }
0x28b: {  	[sflag:s0] =	ssyncadd.s32 $0xFFFFE000  }
0x28c: {  	s16 =	sand.u32 $0x1C00, s11;
	_ =	swait.ge [sflag:s2], $0x8000  }
0x28d: {  	s12 =	sor.u32 s16, s11;
	[sflag:s2] =	ssyncset.done $0x0  }
0x28e: {  	s12 =	sor.u32 $0x70, s12;
	[sflag:s2] =	ssyncadd.s32 $0xFFFF8000  }
0x28f: {  	v0 =	vld [tilespmem:s12+$0x0]  }
0x290: {  	v1 =	vld [tilespmem:s12+$0x4000];
	_ =	sdelay $0x1  }
0x291: {  	s13 =	sand.u32 $0x380, s11  }
0x292: {  	s10 =	sor.u32 s13, s16  }
0x293: {  	v4 =	vld [tilespmem:s10+$0x0]  }
0x294: {  	v5 =	vld [tilespmem:s10+$0x4000];
	v1 =	vadd.f32 v1, v0  }
0x295: {  	v6 =	vld [tilespmem:s10+$0x6000]  }
0x296: {  	v7 =	vld [tilespmem:s10+$0x8000];
	[tilespmem:s12+$0x4000] =	vst v1  }
0x297: {  	v1 =	vld [tilespmem:s10+$0xA070]  }
0x298: {  	v2 =	vld [tilespmem:s10+$0x6070]  }
0x299: {  	v3 =	vld [tilespmem:s10+$0x8070]  }
0x29a: {  	v8 =	vld [tilespmem:s10+$0xA000]  }
0x29b: {  	v62 =	vld [tilespmem:s10+$0x10]  }
0x29c: {  	v10 =	vld [tilespmem:s10+$0x4010];
	v1 =	vadd.f32 v1, v0  }
0x29d: {  	v11 =	vld [tilespmem:s10+$0x6010];
	v2 =	vadd.f32 v2, v0  }
0x29e: {  	v63 =	vld [tilespmem:s10+$0x30];
	v0 =	vadd.f32 v3, v0;
	[tilespmem:s10+$0xA070] =	vst v1  }
0x29f: {  	v3 =	vld [tilespmem:s10+$0xA010];
	[tilespmem:s10+$0x6070] =	vst v2;
	v2 =	vadd.f32 v5, v4  }
0x2a0: {  	v1 =	vld [tilespmem:s10+$0x8010];
	[tilespmem:s10+$0x8070] =	vst v0;
	v0 =	vadd.f32 v6, v4  }
0x2a1: {  	v5 =	vld [tilespmem:s10+$0x20];
	[tilespmem:s10+$0x4000] =	vst v2;
	v2 =	vadd.f32 v7, v4  }
0x2a2: {  	v6 =	vld [tilespmem:s10+$0x4020];
	[tilespmem:s10+$0x6000] =	vst v0;
	v0 =	vadd.f32 v8, v4  }
0x2a3: {  	v4 =	vld [tilespmem:s10+$0x6020];
	[tilespmem:s10+$0x8000] =	vst v2;
	v2 =	vadd.f32 v10, v62  }
0x2a4: {  	v7 =	vld [tilespmem:s10+$0x8020];
	[tilespmem:s10+$0xA000] =	vst v0;
	v0 =	vadd.f32 v11, v62  }
0x2a5: {  	v8 =	vld [tilespmem:s10+$0xA020];
	v1 =	vadd.f32 v1, v62;
	[tilespmem:s10+$0x4010] =	vst v2  }
0x2a6: {  	[tilespmem:s10+$0x6010] =	vst v0;
	v0 =	vadd.f32 v3, v62;
	v2 =	vld [tilespmem:s10+$0x4030]  }
0x2a7: {  	v3 =	vld [tilespmem:s10+$0x6030];
	[tilespmem:s10+$0x8010] =	vst v1;
	v1 =	vadd.f32 v6, v5  }
0x2a8: {  	v6 =	vld [tilespmem:s10+$0x8030];
	[tilespmem:s10+$0xA010] =	vst v0;
	v0 =	vadd.f32 v4, v5  }
0x2a9: {  	[tilespmem:s10+$0x4020] =	vst v1;
	v1 =	vadd.f32 v7, v5;
	v7 =	vld [tilespmem:s10+$0xA030]  }
0x2aa: {  	v4 =	vld [tilespmem:s10+$0x4040];
	v5 =	vadd.f32 v8, v5;
	[tilespmem:s10+$0x6020] =	vst v0  }
0x2ab: {  	v0 =	vld [tilespmem:s10+$0x40];
	[tilespmem:s10+$0x8020] =	vst v1;
	v1 =	vadd.f32 v2, v63  }
0x2ac: {  	[tilespmem:s10+$0xA020] =	vst v5;
	v3 =	vadd.f32 v3, v63;
	v2 =	vld [tilespmem:s10+$0x6040]  }
0x2ad: {  	v6 =	vadd.f32 v6, v63;
	[tilespmem:s10+$0x4030] =	vst v1;
	v1 =	vld [tilespmem:s10+$0x8040]  }
0x2ae: {  	s13 =	simm.s32 $0x400;
	s12 =	simm.s32 $0x0;
	[tilespmem:s10+$0x6030] =	vst v3;
	v3 =	vld [tilespmem:s10+$0xA040];
	v5 =	vadd.f32 v7, v63  }
.LBB2_14:
0x2af: {  	s14 =	sand.u32 $0x1C00, s13;
	[tilespmem:s10+$0x8030] =	vst v6;
	v6 =	vld [tilespmem:s10+$0x50];
	s11 =	sadd.s32 $0x10, s11  }
0x2b0: {  	s12 =	sadd.s32 $0x8, s12;
	s15 =	sor.u32 s14, s11;
	[tilespmem:s10+$0xA030] =	vst v5;
	v4 =	vadd.f32 v4, v0;
	v5 =	vld [tilespmem:s10+$0x4050]  }
0x2b1: {  	p0 =	slt.u32 s12, $0x1F8;
	s15 =	sor.u32 $0x70, s15;
	v2 =	vadd.f32 v2, v0;
	v7 =	vld [tilespmem:s10+$0x6050]  }
0x2b2: {  	v8 =	vld [tilespmem:s15+$0x0];
	[tilespmem:s10+$0x4040] =	vst v4;
	v1 =	vadd.f32 v1, v0  }
0x2b3: {  	v4 =	vld [tilespmem:s15+$0x4000];
	[tilespmem:s10+$0x6040] =	vst v2;
	v0 =	vadd.f32 v3, v0  }
0x2b4: {  	[tilespmem:s10+$0x8040] =	vst v1;
	v1 =	vld [tilespmem:s10+$0x8050]  }
0x2b5: {  	[tilespmem:s10+$0xA040] =	vst v0;
	v0 =	vadd.f32 v5, v6;
	v2 =	vld [tilespmem:s10+$0xA050]  }
0x2b6: {  	v3 =	vadd.f32 v7, v6;
	v5 =	vld [tilespmem:s10+$0x60]  }
0x2b7: {  	[tilespmem:s10+$0x4050] =	vst v0;
	v0 =	vld [tilespmem:s10+$0x4060]  }
0x2b8: {  	v4 =	vadd.f32 v4, v8;
	[tilespmem:s10+$0x6050] =	vst v3;
	v3 =	vld [tilespmem:s10+$0x6060]  }
0x2b9: {  	s16 =	sand.u32 $0x380, s11;
	v1 =	vadd.f32 v1, v6;
	v7 =	vld [tilespmem:s10+$0x8060]  }
0x2ba: {  	s14 =	sor.u32 s16, s14;
	[tilespmem:s15+$0x4000] =	vst v4;
	v2 =	vadd.f32 v2, v6;
	v4 =	vld [tilespmem:s10+$0xA060]  }
0x2bb: {  	v6 =	vld [tilespmem:s14+$0xA070];
	[tilespmem:s10+$0x8050] =	vst v1  }
0x2bc: {  	v1 =	vld [tilespmem:s14+$0x6070];
	[tilespmem:s10+$0xA050] =	vst v2;
	v0 =	vadd.f32 v0, v5  }
0x2bd: {  	v2 =	vld [tilespmem:s14+$0x8070];
	v3 =	vadd.f32 v3, v5  }
0x2be: {  	v9 =	vld [tilespmem:s14+$0x0];
	[tilespmem:s10+$0x4060] =	vst v0;
	v0 =	vadd.f32 v7, v5  }
0x2bf: {  	v7 =	vld [tilespmem:s14+$0x4000];
	[tilespmem:s10+$0x6060] =	vst v3;
	v3 =	vadd.f32 v4, v5  }
0x2c0: {  	v4 =	vld [tilespmem:s14+$0x6000];
	v5 =	vadd.f32 v6, v8;
	[tilespmem:s10+$0x8060] =	vst v0  }
0x2c1: {  	v0 =	vld [tilespmem:s14+$0x8000];
	v1 =	vadd.f32 v1, v8;
	[tilespmem:s10+$0xA060] =	vst v3;
	s10 =	smov.u32 s14  }
0x2c2: {  	v3 =	vld [tilespmem:s10+$0xA000];
	v2 =	vadd.f32 v2, v8;
	[tilespmem:s10+$0xA070] =	vst v5  }
0x2c3: {  	v5 =	vld [tilespmem:s10+$0x10];
	[tilespmem:s10+$0x6070] =	vst v1  }
0x2c4: {  	v1 =	vadd.f32 v7, v9;
	v6 =	vld [tilespmem:s10+$0x4010];
	[tilespmem:s10+$0x8070] =	vst v2  }
0x2c5: {  	v2 =	vadd.f32 v4, v9;
	v4 =	vld [tilespmem:s10+$0x6010]  }
0x2c6: {  	[tilespmem:s10+$0x4000] =	vst v1;
	v0 =	vadd.f32 v0, v9;
	v1 =	vld [tilespmem:s10+$0x8010]  }
0x2c7: {  	[tilespmem:s10+$0x6000] =	vst v2;
	v2 =	vadd.f32 v3, v9;
	v3 =	vld [tilespmem:s10+$0xA010]  }
0x2c8: {  	[tilespmem:s10+$0x8000] =	vst v0;
	v0 =	vld [tilespmem:s10+$0x20]  }
0x2c9: {  	[tilespmem:s10+$0xA000] =	vst v2;
	v2 =	vadd.f32 v6, v5;
	v6 =	vld [tilespmem:s10+$0x4020]  }
0x2ca: {  	v4 =	vadd.f32 v4, v5;
	v7 =	vld [tilespmem:s10+$0x6020]  }
0x2cb: {  	[tilespmem:s10+$0x4010] =	vst v2;
	v1 =	vadd.f32 v1, v5;
	v2 =	vld [tilespmem:s10+$0x8020]  }
0x2cc: {  	[tilespmem:s10+$0x6010] =	vst v4;
	v3 =	vadd.f32 v3, v5;
	v4 =	vld [tilespmem:s10+$0xA020]  }
0x2cd: {  	[tilespmem:s10+$0x8010] =	vst v1;
	v5 =	vld [tilespmem:s10+$0x30]  }
0x2ce: {  	[tilespmem:s10+$0xA010] =	vst v3;
	v1 =	vadd.f32 v6, v0;
	v3 =	vld [tilespmem:s10+$0x4030]  }
0x2cf: {  	v6 =	vadd.f32 v7, v0;
	v7 =	vld [tilespmem:s10+$0x6030]  }
0x2d0: {  	[tilespmem:s10+$0x4020] =	vst v1;
	v1 =	vadd.f32 v2, v0;
	v8 =	vld [tilespmem:s10+$0x8030]  }
0x2d1: {  	[tilespmem:s10+$0x6020] =	vst v6;
	v2 =	vadd.f32 v4, v0;
	v9 =	vld [tilespmem:s10+$0xA030]  }
.Ltmp6:
0x2d2: {  	[tilespmem:s10+$0x8020] =	vst v1;
	v0 =	vld [tilespmem:s10+$0x40];
	(pc) =	sbr.rel @p0 .LBB2_14-.Ltmp6, $4  }
0x2d3: {  	[tilespmem:s10+$0xA020] =	vst v2;
	v1 =	vadd.f32 v3, v5;
	v4 =	vld [tilespmem:s10+$0x4040]  }
0x2d4: {  	v3 =	vadd.f32 v7, v5;
	v2 =	vld [tilespmem:s10+$0x6040]  }
0x2d5: {  	[tilespmem:s10+$0x4030] =	vst v1;
	v6 =	vadd.f32 v8, v5;
	v1 =	vld [tilespmem:s10+$0x8040]  }
0x2d6: {  	s13 =	sadd.s32 $0x400, s13;
	[tilespmem:s10+$0x6030] =	vst v3;
	v5 =	vadd.f32 v9, v5;
	v3 =	vld [tilespmem:s10+$0xA040]  }
0x2d7: {  	v7 =	vld [tilespmem:s10+$0x50]  }
0x2d8: {  	v8 =	vld [tilespmem:s10+$0x4050]  }
0x2d9: {  	v9 =	vld [tilespmem:s10+$0x6050]  }
0x2da: {  	[tilespmem:s10+$0x8030] =	vst v6;
	v6 =	vld [tilespmem:s10+$0x8050];
	v4 =	vadd.f32 v4, v0  }
0x2db: {  	[tilespmem:s10+$0xA030] =	vst v5;
	v5 =	vld [tilespmem:s10+$0xA050];
	v2 =	vadd.f32 v2, v0  }
0x2dc: {  	[tilespmem:s10+$0x4040] =	vst v4;
	v1 =	vadd.f32 v1, v0;
	v4 =	vld [tilespmem:s10+$0x60]  }
0x2dd: {  	[tilespmem:s10+$0x6040] =	vst v2;
	v0 =	vadd.f32 v3, v0;
	v2 =	vld [tilespmem:s10+$0x4060]  }
0x2de: {  	v3 =	vld [tilespmem:s10+$0x6060];
	[tilespmem:s10+$0x8040] =	vst v1;
	v1 =	vadd.f32 v8, v7  }
0x2df: {  	v8 =	vld [tilespmem:s10+$0x8060];
	[tilespmem:s10+$0xA040] =	vst v0;
	v0 =	vadd.f32 v9, v7  }
0x2e0: {  	[tilespmem:s10+$0x4050] =	vst v1;
	v1 =	vadd.f32 v6, v7;
	v6 =	vld [tilespmem:s10+$0xA060]  }
0x2e1: {  	[tilespmem:s10+$0x6050] =	vst v0;
	v0 =	vadd.f32 v5, v7  }
0x2e2: {  	[tilespmem:s10+$0x8050] =	vst v1;
	v1 =	vadd.f32 v2, v4  }
0x2e3: {  	[tilespmem:s10+$0xA050] =	vst v0;
	v0 =	vadd.f32 v3, v4  }
0x2e4: {  	[tilespmem:s10+$0x4060] =	vst v1;
	v1 =	vadd.f32 v8, v4  }
0x2e5: {  	[tilespmem:s10+$0x6060] =	vst v0;
	v0 =	vadd.f32 v6, v4  }
0x2e6: {  	[tilespmem:s10+$0x8060] =	vst v1  }
0x2e7: {  	[tilespmem:s10+$0xA060] =	vst v0  }
0x2e8: {  	[hbm4b:s25+s29] =	stream.strided.scatter [tilespmem:s31], [sflag:$0x5], $0x8000, s30, s29, $0x38;
	[tilespmem:$0x1C000] =	vst v63  }
0x2e9: {  	_ =	swait.ge [sflag:s0], $0x2000  }
0x2ea: {  	[sflag:s0] =	ssyncset.done $0x0  }
0x2eb: {  	s11 =	simm.s32 $0x0;
	[sflag:s0] =	ssyncadd.s32 $0xFFFFE000  }
0x2ec: {  	s16 =	sand.u32 $0x1C00, s11;
	_ =	swait.ge [sflag:s4], $0x8000  }
0x2ed: {  	s12 =	sor.u32 s16, s11;
	[sflag:s4] =	ssyncset.done $0x0  }
0x2ee: {  	s12 =	sor.u32 $0x70, s12;
	[sflag:s4] =	ssyncadd.s32 $0xFFFF8000  }
0x2ef: {  	v0 =	vld [tilespmem:s12+$0x2000]  }
0x2f0: {  	v1 =	vld [tilespmem:s12+$0xC000];
	_ =	sdelay $0x1  }
0x2f1: {  	s13 =	sand.u32 $0x380, s11  }
0x2f2: {  	s10 =	sor.u32 s13, s16  }
0x2f3: {  	v4 =	vld [tilespmem:s10+$0x2000]  }
0x2f4: {  	v5 =	vld [tilespmem:s10+$0xC000];
	v1 =	vadd.f32 v1, v0  }
0x2f5: {  	v6 =	vld [tilespmem:s10+$0xE000]  }
0x2f6: {  	v7 =	vld [tilespmem:s10+$0x10000];
	[tilespmem:s12+$0xC000] =	vst v1  }
0x2f7: {  	v1 =	vld [tilespmem:s10+$0x12070]  }
0x2f8: {  	v2 =	vld [tilespmem:s10+$0xE070]  }
0x2f9: {  	v3 =	vld [tilespmem:s10+$0x10070]  }
0x2fa: {  	v8 =	vld [tilespmem:s10+$0x12000]  }
0x2fb: {  	v62 =	vld [tilespmem:s10+$0x2010]  }
0x2fc: {  	v10 =	vld [tilespmem:s10+$0xC010];
	v1 =	vadd.f32 v1, v0  }
0x2fd: {  	v11 =	vld [tilespmem:s10+$0xE010];
	v2 =	vadd.f32 v2, v0  }
0x2fe: {  	v63 =	vld [tilespmem:s10+$0x2030];
	v0 =	vadd.f32 v3, v0;
	[tilespmem:s10+$0x12070] =	vst v1  }
0x2ff: {  	v3 =	vld [tilespmem:s10+$0x12010];
	[tilespmem:s10+$0xE070] =	vst v2;
	v2 =	vadd.f32 v5, v4  }
0x300: {  	v1 =	vld [tilespmem:s10+$0x10010];
	[tilespmem:s10+$0x10070] =	vst v0;
	v0 =	vadd.f32 v6, v4  }
0x301: {  	v5 =	vld [tilespmem:s10+$0x2020];
	[tilespmem:s10+$0xC000] =	vst v2;
	v2 =	vadd.f32 v7, v4  }
0x302: {  	v6 =	vld [tilespmem:s10+$0xC020];
	[tilespmem:s10+$0xE000] =	vst v0;
	v0 =	vadd.f32 v8, v4  }
0x303: {  	v4 =	vld [tilespmem:s10+$0xE020];
	[tilespmem:s10+$0x10000] =	vst v2;
	v2 =	vadd.f32 v10, v62  }
0x304: {  	v7 =	vld [tilespmem:s10+$0x10020];
	[tilespmem:s10+$0x12000] =	vst v0;
	v0 =	vadd.f32 v11, v62  }
0x305: {  	v8 =	vld [tilespmem:s10+$0x12020];
	v1 =	vadd.f32 v1, v62;
	[tilespmem:s10+$0xC010] =	vst v2  }
0x306: {  	[tilespmem:s10+$0xE010] =	vst v0;
	v0 =	vadd.f32 v3, v62;
	v2 =	vld [tilespmem:s10+$0xC030]  }
0x307: {  	v3 =	vld [tilespmem:s10+$0xE030];
	[tilespmem:s10+$0x10010] =	vst v1;
	v1 =	vadd.f32 v6, v5  }
0x308: {  	v6 =	vld [tilespmem:s10+$0x10030];
	[tilespmem:s10+$0x12010] =	vst v0;
	v0 =	vadd.f32 v4, v5  }
0x309: {  	[tilespmem:s10+$0xC020] =	vst v1;
	v1 =	vadd.f32 v7, v5;
	v7 =	vld [tilespmem:s10+$0x12030]  }
0x30a: {  	v4 =	vld [tilespmem:s10+$0xC040];
	v5 =	vadd.f32 v8, v5;
	[tilespmem:s10+$0xE020] =	vst v0  }
0x30b: {  	v0 =	vld [tilespmem:s10+$0x2040];
	[tilespmem:s10+$0x10020] =	vst v1;
	v1 =	vadd.f32 v2, v63  }
0x30c: {  	[tilespmem:s10+$0x12020] =	vst v5;
	v3 =	vadd.f32 v3, v63;
	v2 =	vld [tilespmem:s10+$0xE040]  }
0x30d: {  	v6 =	vadd.f32 v6, v63;
	[tilespmem:s10+$0xC030] =	vst v1;
	v1 =	vld [tilespmem:s10+$0x10040]  }
0x30e: {  	s13 =	simm.s32 $0x400;
	s12 =	simm.s32 $0x0;
	[tilespmem:s10+$0xE030] =	vst v3;
	v3 =	vld [tilespmem:s10+$0x12040];
	v5 =	vadd.f32 v7, v63  }
.LBB2_16:
0x30f: {  	s14 =	sand.u32 $0x1C00, s13;
	[tilespmem:s10+$0x10030] =	vst v6;
	v6 =	vld [tilespmem:s10+$0x2050];
	s11 =	sadd.s32 $0x10, s11  }
0x310: {  	s12 =	sadd.s32 $0x8, s12;
	s15 =	sor.u32 s14, s11;
	[tilespmem:s10+$0x12030] =	vst v5;
	v4 =	vadd.f32 v4, v0;
	v5 =	vld [tilespmem:s10+$0xC050]  }
0x311: {  	p0 =	slt.u32 s12, $0x1F8;
	s15 =	sor.u32 $0x70, s15;
	v2 =	vadd.f32 v2, v0;
	v7 =	vld [tilespmem:s10+$0xE050]  }
0x312: {  	v8 =	vld [tilespmem:s15+$0x2000];
	[tilespmem:s10+$0xC040] =	vst v4;
	v1 =	vadd.f32 v1, v0  }
0x313: {  	v4 =	vld [tilespmem:s15+$0xC000];
	[tilespmem:s10+$0xE040] =	vst v2;
	v0 =	vadd.f32 v3, v0  }
0x314: {  	[tilespmem:s10+$0x10040] =	vst v1;
	v1 =	vld [tilespmem:s10+$0x10050]  }
0x315: {  	[tilespmem:s10+$0x12040] =	vst v0;
	v0 =	vadd.f32 v5, v6;
	v2 =	vld [tilespmem:s10+$0x12050]  }
0x316: {  	v3 =	vadd.f32 v7, v6;
	v5 =	vld [tilespmem:s10+$0x2060]  }
0x317: {  	[tilespmem:s10+$0xC050] =	vst v0;
	v0 =	vld [tilespmem:s10+$0xC060]  }
0x318: {  	v4 =	vadd.f32 v4, v8;
	[tilespmem:s10+$0xE050] =	vst v3;
	v3 =	vld [tilespmem:s10+$0xE060]  }
0x319: {  	s16 =	sand.u32 $0x380, s11;
	v1 =	vadd.f32 v1, v6;
	v7 =	vld [tilespmem:s10+$0x10060]  }
0x31a: {  	s14 =	sor.u32 s16, s14;
	[tilespmem:s15+$0xC000] =	vst v4;
	v2 =	vadd.f32 v2, v6;
	v4 =	vld [tilespmem:s10+$0x12060]  }
0x31b: {  	v6 =	vld [tilespmem:s14+$0x12070];
	[tilespmem:s10+$0x10050] =	vst v1  }
0x31c: {  	v1 =	vld [tilespmem:s14+$0xE070];
	[tilespmem:s10+$0x12050] =	vst v2;
	v0 =	vadd.f32 v0, v5  }
0x31d: {  	v2 =	vld [tilespmem:s14+$0x10070];
	v3 =	vadd.f32 v3, v5  }
0x31e: {  	v9 =	vld [tilespmem:s14+$0x2000];
	[tilespmem:s10+$0xC060] =	vst v0;
	v0 =	vadd.f32 v7, v5  }
0x31f: {  	v7 =	vld [tilespmem:s14+$0xC000];
	[tilespmem:s10+$0xE060] =	vst v3;
	v3 =	vadd.f32 v4, v5  }
0x320: {  	v4 =	vld [tilespmem:s14+$0xE000];
	v5 =	vadd.f32 v6, v8;
	[tilespmem:s10+$0x10060] =	vst v0  }
0x321: {  	v0 =	vld [tilespmem:s14+$0x10000];
	v1 =	vadd.f32 v1, v8;
	[tilespmem:s10+$0x12060] =	vst v3;
	s10 =	smov.u32 s14  }
0x322: {  	v3 =	vld [tilespmem:s10+$0x12000];
	v2 =	vadd.f32 v2, v8;
	[tilespmem:s10+$0x12070] =	vst v5  }
0x323: {  	v5 =	vld [tilespmem:s10+$0x2010];
	[tilespmem:s10+$0xE070] =	vst v1  }
0x324: {  	v1 =	vadd.f32 v7, v9;
	v6 =	vld [tilespmem:s10+$0xC010];
	[tilespmem:s10+$0x10070] =	vst v2  }
0x325: {  	v2 =	vadd.f32 v4, v9;
	v4 =	vld [tilespmem:s10+$0xE010]  }
0x326: {  	[tilespmem:s10+$0xC000] =	vst v1;
	v0 =	vadd.f32 v0, v9;
	v1 =	vld [tilespmem:s10+$0x10010]  }
0x327: {  	[tilespmem:s10+$0xE000] =	vst v2;
	v2 =	vadd.f32 v3, v9;
	v3 =	vld [tilespmem:s10+$0x12010]  }
0x328: {  	[tilespmem:s10+$0x10000] =	vst v0;
	v0 =	vld [tilespmem:s10+$0x2020]  }
0x329: {  	[tilespmem:s10+$0x12000] =	vst v2;
	v2 =	vadd.f32 v6, v5;
	v6 =	vld [tilespmem:s10+$0xC020]  }
0x32a: {  	v4 =	vadd.f32 v4, v5;
	v7 =	vld [tilespmem:s10+$0xE020]  }
0x32b: {  	[tilespmem:s10+$0xC010] =	vst v2;
	v1 =	vadd.f32 v1, v5;
	v2 =	vld [tilespmem:s10+$0x10020]  }
0x32c: {  	[tilespmem:s10+$0xE010] =	vst v4;
	v3 =	vadd.f32 v3, v5;
	v4 =	vld [tilespmem:s10+$0x12020]  }
0x32d: {  	[tilespmem:s10+$0x10010] =	vst v1;
	v5 =	vld [tilespmem:s10+$0x2030]  }
0x32e: {  	[tilespmem:s10+$0x12010] =	vst v3;
	v1 =	vadd.f32 v6, v0;
	v3 =	vld [tilespmem:s10+$0xC030]  }
0x32f: {  	v6 =	vadd.f32 v7, v0;
	v7 =	vld [tilespmem:s10+$0xE030]  }
0x330: {  	[tilespmem:s10+$0xC020] =	vst v1;
	v1 =	vadd.f32 v2, v0;
	v8 =	vld [tilespmem:s10+$0x10030]  }
0x331: {  	[tilespmem:s10+$0xE020] =	vst v6;
	v2 =	vadd.f32 v4, v0;
	v9 =	vld [tilespmem:s10+$0x12030]  }
.Ltmp7:
0x332: {  	[tilespmem:s10+$0x10020] =	vst v1;
	v0 =	vld [tilespmem:s10+$0x2040];
	(pc) =	sbr.rel @p0 .LBB2_16-.Ltmp7, $4  }
0x333: {  	[tilespmem:s10+$0x12020] =	vst v2;
	v1 =	vadd.f32 v3, v5;
	v4 =	vld [tilespmem:s10+$0xC040]  }
0x334: {  	v3 =	vadd.f32 v7, v5;
	v2 =	vld [tilespmem:s10+$0xE040]  }
0x335: {  	[tilespmem:s10+$0xC030] =	vst v1;
	v6 =	vadd.f32 v8, v5;
	v1 =	vld [tilespmem:s10+$0x10040]  }
0x336: {  	s13 =	sadd.s32 $0x400, s13;
	[tilespmem:s10+$0xE030] =	vst v3;
	v5 =	vadd.f32 v9, v5;
	v3 =	vld [tilespmem:s10+$0x12040]  }
0x337: {  	v7 =	vld [tilespmem:s10+$0x2050]  }
0x338: {  	v8 =	vld [tilespmem:s10+$0xC050]  }
0x339: {  	v9 =	vld [tilespmem:s10+$0xE050]  }
0x33a: {  	[tilespmem:s10+$0x10030] =	vst v6;
	v48 =	vld [tilespmem:s10+$0x10050];
	v4 =	vadd.f32 v4, v0  }
0x33b: {  	v49 =	vld [tilespmem:s10+$0x12050];
	[tilespmem:s10+$0x12030] =	vst v5;
	v2 =	vadd.f32 v2, v0  }
0x33c: {  	v50 =	vld [tilespmem:s10+$0x2060];
	[tilespmem:s10+$0xC040] =	vst v4;
	v1 =	vadd.f32 v1, v0  }
0x33d: {  	v52 =	vld [tilespmem:s10+$0xC060];
	[tilespmem:s10+$0xE040] =	vst v2;
	v51 =	vadd.f32 v3, v0  }
0x33e: {  	v54 =	vld [tilespmem:s10+$0xE060];
	[tilespmem:s10+$0x10040] =	vst v1;
	v53 =	vadd.f32 v8, v7  }
0x33f: {  	v56 =	vld [tilespmem:s10+$0x10060];
	v55 =	vadd.f32 v9, v7;
	[tilespmem:s10+$0x12040] =	vst v51  }
0x340: {  	v58 =	vld [tilespmem:s10+$0x12060];
	v57 =	vadd.f32 v48, v7;
	[tilespmem:s10+$0xC050] =	vst v53  }
0x341: {  	v59 =	vadd.f32 v49, v7;
	[tilespmem:s10+$0xE050] =	vst v55  }
0x342: {  	v60 =	vadd.f32 v52, v50;
	[tilespmem:s10+$0x10050] =	vst v57  }
0x343: {  	v61 =	vadd.f32 v54, v50;
	[tilespmem:s10+$0x12050] =	vst v59  }
0x344: {  	v62 =	vadd.f32 v56, v50;
	[tilespmem:s10+$0xC060] =	vst v60  }
0x345: {  	v63 =	vadd.f32 v58, v50;
	[tilespmem:s10+$0xE060] =	vst v61  }
0x346: {  	[tilespmem:s10+$0x10060] =	vst v62  }
0x347: {  	[tilespmem:s10+$0x12060] =	vst v63  }
0x348: {  	[hbm4b:s26+s29] =	stream.strided.scatter [tilespmem:s20], [sflag:$0x6], $0x8000, s30, s29, $0x38;
	[tilespmem:$0x1C000] =	vst v63  }
0x349: {  	_ =	swait.ge [sflag:s8], $0x8000  }
0x34a: {  	[sflag:s8] =	ssyncset.done $0x0  }
0x34b: {  	s9 =	sadd.s32 $0x1, s9;
	[sflag:s8] =	ssyncadd.s32 $0xFFFF8000  }
0x34c: {  	p0 =	sne.s32 s9, s28;
	_ =	swait.ge [sflag:s5], $0x8000  }
.Ltmp8:
0x34d: {  	[sflag:s5] =	ssyncset.done $0x0;
	(pc) =	sbr.rel @p0 .LBB2_1-.Ltmp8, $4  }
0x34e: {  	[sflag:s5] =	ssyncadd.s32 $0xFFFF8000  }
0x34f: {  	_ =	swait.ge [sflag:s7], $0x8000  }
0x350: {  	[sflag:s7] =	ssyncset.done $0x0  }
0x351: {  	[sflag:s7] =	ssyncadd.s32 $0xFFFF8000  }
0x352: {  	_ =	sfence.sel $0x180000  }
0x353: {  	[bflag:$0x0] =	sbarrier.arrive $0xFFFF  }
0x354: {  	_ =	strace $0x90000047  }
0x355: {  	s0 =	stileid.u32;
	[bflag:$0x2] =	sbarrier.arrive $0xFFFF  }
0x356: {  	p0 =	sne.s32 s0, $0x0;
	s0 =	rddreg [dreg:$0x3]  }
0x357: {  	s0 =	sadd.s32 @!p0 $0x100000, s0  }
0x358: {  	[sflag:s0] =	ssyncadd.tile.s32 @!p0 $0x1;
	_ =	shalt  }
.Lfunc_end2:
_tile_overlayer_lowered:
.L_overlay_start_2:
0x359: {  	(tag) =	ssettag $0x2  }
0x35a: {  	s0 =	rddreg [dreg:$0x0];
	s2 =	stileid.u32  }
0x35b: {  	s1 =	rddreg [dreg:$0x1];
	p0 =	sne.s32 s2, $0x0  }
0x35c: {  	s3 =	rddreg [dreg:$0x2];
	[bflag:$0x3] =	sbarrier.arrive $0xFFFF;
	s2 =	simm.s32 @!p0 $0x1C08  }
0x35d: {  	[timem:s3], [sflag:s2] =	dma.local @!p0 [hbm:s0], s1  }
0x35e: {  	s0 =	simm.s32 @!p0 $0x8  }
0x35f: {  	_ =	swait.ge @!p0 [sflag:s0], s1  }
0x360: {  	s1 =	ssub.s32 @!p0 $0x0, s1;
	[sflag:s0] =	ssyncset.done @!p0 $0x0  }
0x361: {  	[sflag:s0] =	ssyncadd.s32 @!p0 s1  }
0x362: {  	[bflag:$0x3] =	sbarrier.arrive $0xFFFF  }
0x363: {  	_ =	shalt  }

</sc_bundles>
